<compile_context>
chip_gen: v7x
topology: tpu7x:2x2x1
jax: 0.10.2.dev20260603
libtpu: 0.0.44.dev20260713+nightly
codegen_flags: <defaults>
</compile_context>

<pallas_src>
import jax
import jax.numpy as jnp
from jax import lax
from jax.experimental import pallas as pl
from jax.experimental.pallas import tpu as pltpu
from jax.experimental.pallas import tpu_sc as plsc

_ROWS, _COLS = 16384, 1024
_N = _ROWS * _COLS
_R = _N // 4

_NC, _NS = 2, 16
_NW = _NC * _NS
_CS = 8192
_CSH = 13
_NCHUNK = _N // _CS
_CPW = _NCHUNK // _NW
_SPAN = _CS * _CPW
_SU = 2048
_MAXW = _CS // _SU + 1
_WCAP = _MAXW * _SU
_VPW = _SU // 16
_PSU = 8192
_PVW = _PSU // 16
_BIG = 2 ** 30


def _sc_body(fix_ref, par_ref, idxp_ref, sb_ref, out_ref,
             dbuf, wbi, wbp, pwm, karr, sbv, sem_i, sem_o, sem_p):
    c = lax.axis_index("c")
    s = lax.axis_index("s")
    wid = s * _NC + c
    ch0 = wid * _CPW

    pltpu.sync_copy(sb_ref, sbv)
    lane = lax.iota(jnp.int32, 16)

    kv = sbv[pl.ds(wid, 16)]
    k0t = kv[0]
    k1t = kv[1]
    a0t = k0t & ~jnp.int32(7)

    big16 = jnp.full((16,), _BIG, dtype=jnp.int32)
    for j in range(4):
        karr[pl.ds(j * 16, 16)] = big16
    karr[pl.ds(64, 16)] = jnp.broadcast_to(k1t, (16,)).astype(jnp.int32)

    npre = lax.max(jnp.int32(0), (k1t - a0t + _PSU - 1) // _PSU)

    def pre_start(t, half):
        sft = pl.multiple_of(
            lax.min(a0t + t * _PSU, jnp.int32(_R - _PSU)), 8)
        po = pl.multiple_of(half * (_PSU + 8), 8)
        pltpu.make_async_copy(
            idxp_ref.at[pl.ds(sft, _PSU + 8)],
            pwm.at[pl.ds(po, _PSU + 8)], sem_i).start()

    def pre_wait(half):
        po = pl.multiple_of(half * (_PSU + 8), 8)
        pltpu.make_async_copy(
            idxp_ref.at[pl.ds(0, _PSU + 8)],
            pwm.at[pl.ds(po, _PSU + 8)], sem_i).wait()

    @pl.when(npre > 0)
    def _():
        pre_start(0, 0)

    def pre_body(t, carry):
        half = lax.rem(t, 2)
        base = half * (_PSU + 8)
        sft = pl.multiple_of(
            lax.min(a0t + t * _PSU, jnp.int32(_R - _PSU)), 8)
        pre_wait(half)

        @pl.when(t + 1 < npre)
        def _():
            pre_start(t + 1, 1 - half)

        def pre_vec(v, carry2):
            cur = pwm[pl.ds(base + 8 + v * 16, 16)]
            prv = pwm[pl.ds(base + 7 + v * 16, 16)]
            cid = lax.shift_right_arithmetic(cur, _CSH)
            pid = lax.shift_right_arithmetic(prv, _CSH)
            pos = sft + v * 16 + lane
            m = (cid != pid) & (pos >= k0t) & (pos < k1t)
            plsc.store_scatter(karr, [cid - ch0], pos, mask=m)
            return carry2

        lax.fori_loop(0, _PVW, pre_vec, 0)
        return carry

    lax.fori_loop(0, npre, pre_body, 0)

    carry0 = jnp.int32(_BIG)
    for j in range(4, -1, -1):
        v = karr[pl.ds(j * 16, 16)]
        nm = plsc.cummax(lax.rev(-v, (0,)))
        sv = lax.max(lax.rev(nm, (0,)), -carry0)
        karr[pl.ds(j * 16, 16)] = -sv
        carry0 = -sv[0]

    def seg(cl):
        bv = karr[pl.ds(cl, 16)]
        k0 = bv[0]
        k1 = bv[1]
        a0 = k0 & ~jnp.int32(7)
        nwin = lax.max(jnp.int32(0), (k1 - a0 + _SU - 1) // _SU)
        return k0, k1, a0, nwin

    def win_start(a0, t):
        return pl.multiple_of(
            lax.min(a0 + t * _SU, jnp.int32(_R - _SU)), 8)

    _RPC = _CS // _COLS

    def dest_in_start(cl, b):
        r0 = pl.multiple_of((wid * _SPAN + cl * _CS) // _COLS, 8)
        br = pl.multiple_of(b * _RPC, 8)
        pltpu.make_async_copy(
            fix_ref.at[pl.ds(r0, _RPC), :], dbuf.at[pl.ds(br, _RPC), :],
            sem_i).start()

    def dest_out_start(cl, b):
        r0 = pl.multiple_of((wid * _SPAN + cl * _CS) // _COLS, 8)
        br = pl.multiple_of(b * _RPC, 8)
        pltpu.make_async_copy(
            dbuf.at[pl.ds(br, _RPC), :], out_ref.at[pl.ds(r0, _RPC), :],
            sem_o).start()

    def dest_in_wait(b):
        br = pl.multiple_of(b * _RPC, 8)
        pltpu.make_async_copy(
            fix_ref.at[pl.ds(0, _RPC), :], dbuf.at[pl.ds(br, _RPC), :],
            sem_i).wait()

    def dest_out_wait(b):
        br = pl.multiple_of(b * _RPC, 8)
        pltpu.make_async_copy(
            dbuf.at[pl.ds(br, _RPC), :], out_ref.at[pl.ds(0, _RPC), :],
            sem_o).wait()

    def param_fetch(cl, slot):
        _, _, a0, nwin = seg(cl)
        for t in range(_MAXW):
            @pl.when(t < nwin)
            def _():
                sft = win_start(a0, t)
                wo = pl.multiple_of(slot * _WCAP + t * _SU, 8)
                pltpu.make_async_copy(
                    idxp_ref.at[pl.ds(sft + 8, _SU)],
                    wbi.at[pl.ds(wo, _SU)], sem_p).start()
                pltpu.make_async_copy(
                    par_ref.at[pl.ds(sft, _SU)],
                    wbp.at[pl.ds(wo, _SU)], sem_p).start()

    def param_drain(nwin, slot):
        for t in range(_MAXW):
            @pl.when(t < nwin)
            def _():
                wo = pl.multiple_of(slot * _WCAP + t * _SU, 8)
                pltpu.make_async_copy(
                    idxp_ref.at[pl.ds(8, _SU)],
                    wbi.at[pl.ds(wo, _SU)], sem_p).wait()
                pltpu.make_async_copy(
                    par_ref.at[pl.ds(0, _SU)],
                    wbp.at[pl.ds(wo, _SU)], sem_p).wait()

    dest_in_start(0, 0)
    dest_in_start(1, 1)
    param_fetch(0, 0)

    def chunk_body(cl, carry):
        b = lax.rem(cl, 4)
        slot = lax.rem(cl, 2)
        k0, k1, a0, nwin = seg(cl)
        off = b * _CS - (wid * _SPAN + cl * _CS)

        dest_in_wait(b)
        param_drain(nwin, slot)

        @pl.when(cl >= 2)
        def _():
            dest_out_wait(lax.rem(cl + 2, 4))

        @pl.when(cl + 2 < _CPW)
        def _():
            dest_in_start(cl + 2, lax.rem(cl + 2, 4))

        @pl.when(cl + 1 < _CPW)
        def _():
            param_fetch(cl + 1, 1 - slot)

        for t in range(_MAXW):
            sft = win_start(a0, t)
            vhi = lax.select(
                t < nwin,
                lax.clamp(jnp.int32(0), (k1 - sft + 15) // 16,
                          jnp.int32(_VPW)),
                jnp.int32(0))

            def vec_body(v, carry3, t=t, sft=sft):
                pos = sft + v * 16 + lane
                ivec = wbi[pl.ds(slot * _WCAP + t * _SU + v * 16, 16)]
                pvec = wbp[pl.ds(slot * _WCAP + t * _SU + v * 16, 16)]
                mask = (pos >= k0) & (pos < k1)
                rel = ivec + off
                plsc.store_scatter(
                    dbuf,
                    [lax.shift_right_logical(rel, 10),
                     lax.bitwise_and(rel, jnp.int32(_COLS - 1))],
                    pvec, mask=mask)
                return carry3

            lax.fori_loop(0, vhi, vec_body, 0)

        dest_out_start(cl, b)
        return carry

    lax.fori_loop(0, _CPW, chunk_body, 0)

    dest_out_wait((_CPW - 2) % 4)
    dest_out_wait((_CPW - 1) % 4)


def _make_sc_kernel():
    mesh = plsc.VectorSubcoreMesh(
        core_axis_name="c", subcore_axis_name="s",
        num_cores=_NC, num_subcores=_NS,
    )
    return pl.kernel(
        _sc_body,
        out_type=jax.ShapeDtypeStruct((_ROWS, _COLS), jnp.float32),
        mesh=mesh,
        scratch_types=[
            pltpu.VMEM((4 * _CS // _COLS, _COLS), jnp.float32),
            pltpu.VMEM((2 * _WCAP,), jnp.int32),
            pltpu.VMEM((2 * _WCAP,), jnp.float32),
            pltpu.VMEM((2 * (_PSU + 8),), jnp.int32),
            pltpu.VMEM((80,), jnp.int32),
            pltpu.VMEM((48,), jnp.int32),
            pltpu.SemaphoreType.DMA,
            pltpu.SemaphoreType.DMA,
            pltpu.SemaphoreType.DMA,
        ],
        compiler_params=pltpu.CompilerParams(needs_layout_passes=False),
    )


def kernel(fixed_values, refinable_params, refinable_idx):
    idx32 = refinable_idx.astype(jnp.int32)
    idxp = jnp.concatenate(
        [jnp.full((8,), -1, dtype=jnp.int32), idx32])
    cuts = jnp.arange(_NW + 1, dtype=jnp.int32) * _SPAN
    sb = jnp.searchsorted(idx32, cuts, side="left").astype(jnp.int32)
    sb = jnp.concatenate(
        [sb, jnp.full((48 - _NW - 1,), _R, dtype=jnp.int32)])
    return _make_sc_kernel()(fixed_values, refinable_params, idxp, sb)

# --- scband reference (transcript-rebuilt; emitter-appended) ---
"""Pipeline reference for scband-mixed-tensor-47261820125688 (READ-ONLY COPY).

The authoritative reference and input builder live on the scoring server;
editing this copy changes nothing except your own understanding.
"""

import jax, jax.numpy as jnp
import numpy as np

SHAPE = (16384, 1024)
REFINABLE_FRAC = 4  # 1/4 of elements are refinable


def setup_inputs(seed: int = 0) -> dict:
    key = jax.random.key(seed)
    k1, k2 = jax.random.split(key)
    # fixed_values buffer: full tensor with fixed entries (refinable positions
    # hold stale copies that get overwritten on forward)
    fixed_values = jax.random.normal(k1, SHAPE, dtype=jnp.float32)
    n = SHAPE[0] * SHAPE[1]
    r = n // REFINABLE_FRAC
    # refinable_mask realized as sorted flat indices of True positions.
    # torch's `result[mask] = params` assigns params in row-major order of the
    # True positions, which is exactly a scatter at sorted flat indices.
    rng = np.random.default_rng(0)
    idx = np.sort(rng.choice(n, size=r, replace=False)).astype(np.int64)
    refinable_idx = jnp.asarray(idx)
    # refinable_params: nn.Parameter holding the optimizable entries
    refinable_params = jax.random.normal(k2, (r,), dtype=jnp.float32)
    return {
        "fixed_values": fixed_values,
        "refinable_params": refinable_params,
        "refinable_idx": refinable_idx,
    }


def reference(fixed_values, refinable_params, refinable_idx):
    # MixedTensor.forward():
    #   result = self.fixed_values.clone()
    #   result[self.refinable_mask] = self.refinable_params
    #   return result
    flat = fixed_values.reshape(-1)
    flat = flat.at[refinable_idx].set(refinable_params)
    return flat.reshape(fixed_values.shape)

if __name__ == "__main__":
    import jax
    _d = setup_inputs()
    print(jax.jit(kernel)(*tuple(_d.values())))

</pallas_src>

<mosaic_0001>
#map = affine_map<(d0, d1) -> (0, 0)>
#map1 = affine_map<(d0, d1) -> (0)>
module attributes {stable_mosaic.version = 14 : i64} {
  func.func @_sc_body(%arg0: i32, %arg1: i32, %arg2: memref<16384x1024xf32, #tpu.memory_space<hbm>>, %arg3: memref<4194304xf32, #tpu.memory_space<hbm>>, %arg4: memref<4194312xi32, #tpu.memory_space<hbm>>, %arg5: memref<48xi32, #tpu.memory_space<hbm>>, %arg6: memref<16384x1024xf32, #tpu.memory_space<hbm>>, %arg7: memref<32x1024xf32, #tpu.memory_space<vmem>>, %arg8: memref<20480xi32, #tpu.memory_space<vmem>>, %arg9: memref<20480xf32, #tpu.memory_space<vmem>>, %arg10: memref<16400xi32, #tpu.memory_space<vmem>>, %arg11: memref<80xi32, #tpu.memory_space<vmem>>, %arg12: memref<48xi32, #tpu.memory_space<vmem>>, %arg13: memref<!tpu.dma_semaphore, #tpu.memory_space<semaphore_mem>>, %arg14: memref<!tpu.dma_semaphore, #tpu.memory_space<semaphore_mem>>, %arg15: memref<!tpu.dma_semaphore, #tpu.memory_space<semaphore_mem>>) attributes {dimension_semantics = [#tpu.dimension_semantics<core_parallel>, #tpu.dimension_semantics<subcore_parallel>], iteration_bounds = array<i64: 2, 16>, scalar_prefetch = 0 : i64, scratch_operands = 9 : i64, tpu.core_type = #tpu.core_type<sc_vector_subcore>, window_params = [{transform_indices = #map}, {transform_indices = #map1}, {transform_indices = #map1}, {transform_indices = #map1}, {transform_indices = #map}]} {
    %mul3A = arith.constant 2 : i32
    %mul3A_0 = arith.muli %arg1, %mul3A : i32
    %add3A = arith.addi %mul3A_0, %arg0 : i32
    %mul3A_1 = arith.constant 64 : i32
    %mul3A_2 = arith.muli %add3A, %mul3A_1 : i32
    "tpu.region"() ({
      %run_scoped3A = tpu.sem_alloc : memref<!tpu.dma_semaphore, #tpu.memory_space<semaphore_mem>>
      tpu.enqueue_dma source(%arg5 : memref<48xi32, #tpu.memory_space<hbm>>) target(%arg12 : memref<48xi32, #tpu.memory_space<vmem>>) target_semaphore(%run_scoped3A : memref<!tpu.dma_semaphore, #tpu.memory_space<semaphore_mem>>)
      tpu.wait_dma2 semaphore(%run_scoped3A : memref<!tpu.dma_semaphore, #tpu.memory_space<semaphore_mem>>) src(%arg5 : memref<48xi32, #tpu.memory_space<hbm>>) dst(%arg12 : memref<48xi32, #tpu.memory_space<vmem>>)
      tpu.yield
    }) : () -> ()
    %iota3A = tpu.iota {dimensions = array<i32: 0>} : vector<16xi32>
    %get3A = arith.index_cast %add3A : i32 to index
    %get3A_3 = tpu.vector_load %arg12[%get3A] {strides = array<i32>} : memref<48xi32, #tpu.memory_space<vmem>>, vector<16xi32>,
    %slice3A = vector.extract_strided_slice %get3A_3 {offsets = [0], sizes = [1], strides = [1]} : vector<16xi32> to vector<1xi32>
    %squeeze3A = vector.extract %slice3A[0] : i32 from vector<1xi32>
    %slice3A_4 = vector.extract_strided_slice %get3A_3 {offsets = [1], sizes = [1], strides = [1]} : vector<16xi32> to vector<1xi32>
    %squeeze3A_5 = vector.extract %slice3A_4[0] : i32 from vector<1xi32>
    %not3A = arith.constant 7 : i32
    %not3A_6 = arith.constant -1 : i32
    %not3A_7 = arith.xori %not3A, %not3A_6 : i32
    %and3A = arith.andi %squeeze3A, %not3A_7 : i32
    %broadcast_in_dim3A = arith.constant 1073741824 : i32
    %broadcast_in_dim3A_8 = vector.broadcast %broadcast_in_dim3A : i32 to vector<16xi32>
    %swap3A = arith.constant 0 : index
    %swap3A_9 = tpu.vector_load %arg11[%swap3A] {strides = array<i32>} : memref<80xi32, #tpu.memory_space<vmem>>, vector<16xi32>,
    tpu.vector_store %arg11[%swap3A], %broadcast_in_dim3A_8 {strides = array<i32>} : memref<80xi32, #tpu.memory_space<vmem>>, vector<16xi32>,
    %swap3A_10 = arith.constant 16 : index
    %swap3A_11 = tpu.vector_load %arg11[%swap3A_10] {strides = array<i32>} : memref<80xi32, #tpu.memory_space<vmem>>, vector<16xi32>,
    tpu.vector_store %arg11[%swap3A_10], %broadcast_in_dim3A_8 {strides = array<i32>} : memref<80xi32, #tpu.memory_space<vmem>>, vector<16xi32>,
    %swap3A_12 = arith.constant 32 : index
    %swap3A_13 = tpu.vector_load %arg11[%swap3A_12] {strides = array<i32>} : memref<80xi32, #tpu.memory_space<vmem>>, vector<16xi32>,
    tpu.vector_store %arg11[%swap3A_12], %broadcast_in_dim3A_8 {strides = array<i32>} : memref<80xi32, #tpu.memory_space<vmem>>, vector<16xi32>,
    %swap3A_14 = arith.constant 48 : index
    %swap3A_15 = tpu.vector_load %arg11[%swap3A_14] {strides = array<i32>} : memref<80xi32, #tpu.memory_space<vmem>>, vector<16xi32>,
    tpu.vector_store %arg11[%swap3A_14], %broadcast_in_dim3A_8 {strides = array<i32>} : memref<80xi32, #tpu.memory_space<vmem>>, vector<16xi32>,
    %broadcast_in_dim3A_16 = vector.broadcast %squeeze3A_5 : i32 to vector<16xi32>
    %swap3A_17 = arith.constant 64 : index
    %swap3A_18 = tpu.vector_load %arg11[%swap3A_17] {strides = array<i32>} : memref<80xi32, #tpu.memory_space<vmem>>, vector<16xi32>,
    tpu.vector_store %arg11[%swap3A_17], %broadcast_in_dim3A_16 {strides = array<i32>} : memref<80xi32, #tpu.memory_space<vmem>>, vector<16xi32>,
    %sub3A = arith.subi %squeeze3A_5, %and3A : i32
    %add3A_19 = arith.constant 8192 : i32
    %add3A_20 = arith.addi %sub3A, %add3A_19 : i32
    %sub3A_21 = arith.constant 1 : i32
    %sub3A_22 = arith.subi %add3A_20, %sub3A_21 : i32
    %jit3A = arith.constant 8192 : i32
    %div3A = arith.divsi %sub3A_22, %jit3A : i32
    %sign3A = arith.constant 0 : i32
    %sign3A_23 = arith.cmpi sgt, %sub3A_22, %sign3A : i32
    %sign3A_24 = arith.extui %sign3A_23 : i1 to i32
    %sign3A_25 = arith.constant 0 : i32
    %sign3A_26 = arith.cmpi slt, %sub3A_22, %sign3A_25 : i32
    %sign3A_27 = arith.extui %sign3A_26 : i1 to i32
    %sign3A_28 = arith.subi %sign3A_24, %sign3A_27 : i32
    %sign3A_29 = arith.constant 0 : i32
    %sign3A_30 = arith.cmpi sgt, %jit3A, %sign3A_29 : i32
    %sign3A_31 = arith.extui %sign3A_30 : i1 to i32
    %sign3A_32 = arith.constant 0 : i32
    %sign3A_33 = arith.cmpi slt, %jit3A, %sign3A_32 : i32
    %sign3A_34 = arith.extui %sign3A_33 : i1 to i32
    %sign3A_35 = arith.subi %sign3A_31, %sign3A_34 : i32
    %ne3A = arith.cmpi ne, %sign3A_28, %sign3A_35 : i32
    %rem3A = arith.remsi %sub3A_22, %jit3A : i32
    %ne3A_36 = arith.constant 0 : i32
    %ne3A_37 = arith.cmpi ne, %rem3A, %ne3A_36 : i32
    %and3A_38 = arith.andi %ne3A, %ne3A_37 : i1
    %sub3A_39 = arith.constant 1 : i32
    %sub3A_40 = arith.subi %div3A, %sub3A_39 : i32
    %select_n3A = arith.select %and3A_38, %sub3A_40, %div3A : i32
    %max3A = arith.constant 0 : i32
    %max3A_41 = arith.maxsi %max3A, %select_n3A : i32
    %gt3A = arith.constant 0 : i32
    %gt3A_42 = arith.cmpi sgt, %max3A_41, %gt3A : i32
    %convert_element_type3A = arith.extui %gt3A_42 : i1 to i32
    %cond3A = arith.constant 0 : i32
    %cond3A_43 = arith.cmpi ne, %convert_element_type3A, %cond3A : i32
    scf.if %cond3A_43 {
      %add3A_396 = arith.constant 0 : i32
      %add3A_397 = arith.addi %and3A, %add3A_396 : i32
      %min3A = arith.constant 4186112 : i32
      %min3A_398 = arith.minsi %add3A_397, %min3A : i32
      %multiple_of3A_399 = tpu.assume_multiple %min3A_398, 8 : i32
      %multiple_of3A_400 = arith.constant 0 : i32
      %multiple_of3A_401 = tpu.assume_multiple %multiple_of3A_400, 8 : i32
      %dma_start3A_402 = tpu.memref_slice %arg10[%multiple_of3A_401] : memref<16400xi32, #tpu.memory_space<vmem>> -> memref<8200xi32, #tpu.memory_space<vmem>>
      %dma_start3A_403 = tpu.memref_slice %arg4[%multiple_of3A_399] : memref<4194312xi32, #tpu.memory_space<hbm>> -> memref<8200xi32, #tpu.memory_space<hbm>>
      %dma_start3A_404 = tpu.memref_slice %arg10[%multiple_of3A_401] : memref<16400xi32, #tpu.memory_space<vmem>> -> memref<8200xi32, #tpu.memory_space<vmem>>
      %dma_start3A_405 = tpu.memref_slice %arg4[%multiple_of3A_399] : memref<4194312xi32, #tpu.memory_space<hbm>> -> memref<8200xi32, #tpu.memory_space<hbm>>
      tpu.enqueue_dma source(%dma_start3A_405 : memref<8200xi32, #tpu.memory_space<hbm>>) target(%dma_start3A_404 : memref<8200xi32, #tpu.memory_space<vmem>>) target_semaphore(%arg13 : memref<!tpu.dma_semaphore, #tpu.memory_space<semaphore_mem>>)
    } else {
    }
    %while3A = arith.constant 0 : i32
    %while3A_44 = arith.constant 0 : i32
    %while3A_45 = arith.subi %max3A_41, %while3A_44 : i32
    %while3A_46 = arith.addi %while3A_44, %while3A_45 : i32
    %while3A_47 = arith.constant 1 : i32
    %while3A_48 = arith.divsi %while3A_45, %while3A_47 : i32
    %while3A_49 = arith.muli %while3A_48, %while3A_47 : i32
    %while3A_50 = arith.addi %while3A_44, %while3A_49 : i32
    %while3A_51 = arith.constant 1 : i32
    scf.for %while3A_396 = %while3A_44 to %while3A_50 step %while3A_51  : i32 {
      %rem3A_397 = arith.constant 2 : i32
      %rem3A_398 = arith.remsi %while3A_396, %rem3A_397 : i32
      %mul3A_399 = arith.constant 8200 : i32
      %mul3A_400 = arith.muli %rem3A_398, %mul3A_399 : i32
      %mul3A_401 = arith.constant 8192 : i32
      %mul3A_402 = arith.muli %while3A_396, %mul3A_401 : i32
      %add3A_403 = arith.addi %and3A, %mul3A_402 : i32
      %min3A = arith.constant 4186112 : i32
      %min3A_404 = arith.minsi %add3A_403, %min3A : i32
      %multiple_of3A_405 = tpu.assume_multiple %min3A_404, 8 : i32
      %mul3A_406 = arith.constant 8200 : i32
      %mul3A_407 = arith.muli %rem3A_398, %mul3A_406 : i32
      %multiple_of3A_408 = tpu.assume_multiple %mul3A_407, 8 : i32
      %dma_wait3A_409 = tpu.memref_slice %arg10[%multiple_of3A_408] : memref<16400xi32, #tpu.memory_space<vmem>> -> memref<8200xi32, #tpu.memory_space<vmem>>
      %dma_wait3A_410 = arith.constant 0 : i32
      %dma_wait3A_411 = tpu.memref_slice %arg4[%dma_wait3A_410] : memref<4194312xi32, #tpu.memory_space<hbm>> -> memref<8200xi32, #tpu.memory_space<hbm>>
      %dma_wait3A_412 = tpu.memref_slice %arg10[%multiple_of3A_408] : memref<16400xi32, #tpu.memory_space<vmem>> -> memref<8200xi32, #tpu.memory_space<vmem>>
      %dma_wait3A_413 = arith.constant 0 : i32
      %dma_wait3A_414 = tpu.memref_slice %arg4[%dma_wait3A_413] : memref<4194312xi32, #tpu.memory_space<hbm>> -> memref<8200xi32, #tpu.memory_space<hbm>>
      tpu.wait_dma2 semaphore(%arg13 : memref<!tpu.dma_semaphore, #tpu.memory_space<semaphore_mem>>) src(%dma_wait3A_414 : memref<8200xi32, #tpu.memory_space<hbm>>) dst(%dma_wait3A_412 : memref<8200xi32, #tpu.memory_space<vmem>>)
      %add3A_415 = arith.constant 1 : i32
      %add3A_416 = arith.addi %while3A_396, %add3A_415 : i32
      %lt3A = arith.cmpi slt, %add3A_416, %max3A_41 : i32
      %convert_element_type3A_417 = arith.extui %lt3A : i1 to i32
      %cond3A_418 = arith.constant 0 : i32
      %cond3A_419 = arith.cmpi ne, %convert_element_type3A_417, %cond3A_418 : i32
      scf.if %cond3A_419 {
        %add3A_426 = arith.constant 1 : i32
        %add3A_427 = arith.addi %while3A_396, %add3A_426 : i32
        %sub3A_428 = arith.constant 1 : i32
        %sub3A_429 = arith.subi %sub3A_428, %rem3A_398 : i32
        %mul3A_430 = arith.constant 8192 : i32
        %mul3A_431 = arith.muli %add3A_427, %mul3A_430 : i32
        %add3A_432 = arith.addi %and3A, %mul3A_431 : i32
        %min3A_433 = arith.constant 4186112 : i32
        %min3A_434 = arith.minsi %add3A_432, %min3A_433 : i32
        %multiple_of3A_435 = tpu.assume_multiple %min3A_434, 8 : i32
        %mul3A_436 = arith.constant 8200 : i32
        %mul3A_437 = arith.muli %sub3A_429, %mul3A_436 : i32
        %multiple_of3A_438 = tpu.assume_multiple %mul3A_437, 8 : i32
        %dma_start3A_439 = tpu.memref_slice %arg10[%multiple_of3A_438] : memref<16400xi32, #tpu.memory_space<vmem>> -> memref<8200xi32, #tpu.memory_space<vmem>>
        %dma_start3A_440 = tpu.memref_slice %arg4[%multiple_of3A_435] : memref<4194312xi32, #tpu.memory_space<hbm>> -> memref<8200xi32, #tpu.memory_space<hbm>>
        %dma_start3A_441 = tpu.memref_slice %arg10[%multiple_of3A_438] : memref<16400xi32, #tpu.memory_space<vmem>> -> memref<8200xi32, #tpu.memory_space<vmem>>
        %dma_start3A_442 = tpu.memref_slice %arg4[%multiple_of3A_435] : memref<4194312xi32, #tpu.memory_space<hbm>> -> memref<8200xi32, #tpu.memory_space<hbm>>
        tpu.enqueue_dma source(%dma_start3A_442 : memref<8200xi32, #tpu.memory_space<hbm>>) target(%dma_start3A_441 : memref<8200xi32, #tpu.memory_space<vmem>>) target_semaphore(%arg13 : memref<!tpu.dma_semaphore, #tpu.memory_space<semaphore_mem>>)
      } else {
      }
      %scan3A_420 = arith.constant 0 : i32
      %scan3A_421 = arith.constant 0 : i32
      %scan3A_422 = arith.constant 512 : i32
      %scan3A_423 = arith.addi %scan3A_421, %scan3A_422 : i32
      %scan3A_424 = arith.constant 1 : i32
      scf.for %scan3A_426 = %scan3A_421 to %scan3A_423 step %scan3A_424  : i32 {
        %add3A_427 = arith.constant 8 : i32
        %add3A_428 = arith.addi %mul3A_400, %add3A_427 : i32
        %mul3A_429 = arith.constant 16 : i32
        %mul3A_430 = arith.muli %scan3A_426, %mul3A_429 : i32
        %add3A_431 = arith.addi %add3A_428, %mul3A_430 : i32
        %get3A_432 = arith.index_cast %add3A_431 : i32 to index
        %get3A_433 = tpu.vector_load %arg10[%get3A_432] {strides = array<i32>} : memref<16400xi32, #tpu.memory_space<vmem>>, vector<16xi32>,
        %add3A_434 = arith.constant 7 : i32
        %add3A_435 = arith.addi %mul3A_400, %add3A_434 : i32
        %mul3A_436 = arith.constant 16 : i32
        %mul3A_437 = arith.muli %scan3A_426, %mul3A_436 : i32
        %add3A_438 = arith.addi %add3A_435, %mul3A_437 : i32
        %get3A_439 = arith.index_cast %add3A_438 : i32 to index
        %get3A_440 = tpu.vector_load %arg10[%get3A_439] {strides = array<i32>} : memref<16400xi32, #tpu.memory_space<vmem>>, vector<16xi32>,
        %shift_right_arithmetic3A = arith.constant 13 : i32
        %shift_right_arithmetic3A_441 = vector.broadcast %shift_right_arithmetic3A : i32 to vector<16xi32>
        %shift_right_arithmetic3A_442 = arith.shrsi %get3A_433, %shift_right_arithmetic3A_441 : vector<16xi32>
        %shift_right_arithmetic3A_443 = arith.constant 13 : i32
        %shift_right_arithmetic3A_444 = vector.broadcast %shift_right_arithmetic3A_443 : i32 to vector<16xi32>
        %shift_right_arithmetic3A_445 = arith.shrsi %get3A_440, %shift_right_arithmetic3A_444 : vector<16xi32>
        %mul3A_446 = arith.constant 16 : i32
        %mul3A_447 = arith.muli %scan3A_426, %mul3A_446 : i32
        %add3A_448 = arith.addi %multiple_of3A_405, %mul3A_447 : i32
        %add3A_449 = vector.broadcast %add3A_448 : i32 to vector<16xi32>
        %add3A_450 = arith.addi %add3A_449, %iota3A : vector<16xi32>
        %ne3A_451 = arith.cmpi ne, %shift_right_arithmetic3A_442, %shift_right_arithmetic3A_445 : vector<16xi32>
        %ge3A = vector.broadcast %squeeze3A : i32 to vector<16xi32>
        %ge3A_452 = arith.cmpi sge, %add3A_450, %ge3A : vector<16xi32>
        %and3A_453 = arith.andi %ne3A_451, %ge3A_452 : vector<16xi1>
        %lt3A_454 = vector.broadcast %squeeze3A_5 : i32 to vector<16xi32>
        %lt3A_455 = arith.cmpi slt, %add3A_450, %lt3A_454 : vector<16xi32>
        %and3A_456 = arith.andi %and3A_453, %lt3A_455 : vector<16xi1>
        %sub3A_457 = vector.broadcast %mul3A_2 : i32 to vector<16xi32>
        %sub3A_458 = arith.subi %shift_right_arithmetic3A_442, %sub3A_457 : vector<16xi32>
        tpu.vector_store_idx %arg11[%sub3A_458], %add3A_450 masked %and3A_456 : memref<80xi32, #tpu.memory_space<vmem>>[vector<16xi32>], vector<16xi32>, vector<16xi1>
      }
      %scan3A_425 = arith.constant 512 : i32
    }
    %while3A_52 = arith.constant 1 : i32
    scf.for %while3A_396 = %while3A_50 to %while3A_46 step %while3A_52  : i32 {
      %rem3A_397 = arith.constant 2 : i32
      %rem3A_398 = arith.remsi %while3A_396, %rem3A_397 : i32
      %mul3A_399 = arith.constant 8200 : i32
      %mul3A_400 = arith.muli %rem3A_398, %mul3A_399 : i32
      %mul3A_401 = arith.constant 8192 : i32
      %mul3A_402 = arith.muli %while3A_396, %mul3A_401 : i32
      %add3A_403 = arith.addi %and3A, %mul3A_402 : i32
      %min3A = arith.constant 4186112 : i32
      %min3A_404 = arith.minsi %add3A_403, %min3A : i32
      %multiple_of3A_405 = tpu.assume_multiple %min3A_404, 8 : i32
      %mul3A_406 = arith.constant 8200 : i32
      %mul3A_407 = arith.muli %rem3A_398, %mul3A_406 : i32
      %multiple_of3A_408 = tpu.assume_multiple %mul3A_407, 8 : i32
      %dma_wait3A_409 = tpu.memref_slice %arg10[%multiple_of3A_408] : memref<16400xi32, #tpu.memory_space<vmem>> -> memref<8200xi32, #tpu.memory_space<vmem>>
      %dma_wait3A_410 = arith.constant 0 : i32
      %dma_wait3A_411 = tpu.memref_slice %arg4[%dma_wait3A_410] : memref<4194312xi32, #tpu.memory_space<hbm>> -> memref<8200xi32, #tpu.memory_space<hbm>>
      %dma_wait3A_412 = tpu.memref_slice %arg10[%multiple_of3A_408] : memref<16400xi32, #tpu.memory_space<vmem>> -> memref<8200xi32, #tpu.memory_space<vmem>>
      %dma_wait3A_413 = arith.constant 0 : i32
      %dma_wait3A_414 = tpu.memref_slice %arg4[%dma_wait3A_413] : memref<4194312xi32, #tpu.memory_space<hbm>> -> memref<8200xi32, #tpu.memory_space<hbm>>
      tpu.wait_dma2 semaphore(%arg13 : memref<!tpu.dma_semaphore, #tpu.memory_space<semaphore_mem>>) src(%dma_wait3A_414 : memref<8200xi32, #tpu.memory_space<hbm>>) dst(%dma_wait3A_412 : memref<8200xi32, #tpu.memory_space<vmem>>)
      %add3A_415 = arith.constant 1 : i32
      %add3A_416 = arith.addi %while3A_396, %add3A_415 : i32
      %lt3A = arith.cmpi slt, %add3A_416, %max3A_41 : i32
      %convert_element_type3A_417 = arith.extui %lt3A : i1 to i32
      %cond3A_418 = arith.constant 0 : i32
      %cond3A_419 = arith.cmpi ne, %convert_element_type3A_417, %cond3A_418 : i32
      scf.if %cond3A_419 {
        %add3A_426 = arith.constant 1 : i32
        %add3A_427 = arith.addi %while3A_396, %add3A_426 : i32
        %sub3A_428 = arith.constant 1 : i32
        %sub3A_429 = arith.subi %sub3A_428, %rem3A_398 : i32
        %mul3A_430 = arith.constant 8192 : i32
        %mul3A_431 = arith.muli %add3A_427, %mul3A_430 : i32
        %add3A_432 = arith.addi %and3A, %mul3A_431 : i32
        %min3A_433 = arith.constant 4186112 : i32
        %min3A_434 = arith.minsi %add3A_432, %min3A_433 : i32
        %multiple_of3A_435 = tpu.assume_multiple %min3A_434, 8 : i32
        %mul3A_436 = arith.constant 8200 : i32
        %mul3A_437 = arith.muli %sub3A_429, %mul3A_436 : i32
        %multiple_of3A_438 = tpu.assume_multiple %mul3A_437, 8 : i32
        %dma_start3A_439 = tpu.memref_slice %arg10[%multiple_of3A_438] : memref<16400xi32, #tpu.memory_space<vmem>> -> memref<8200xi32, #tpu.memory_space<vmem>>
        %dma_start3A_440 = tpu.memref_slice %arg4[%multiple_of3A_435] : memref<4194312xi32, #tpu.memory_space<hbm>> -> memref<8200xi32, #tpu.memory_space<hbm>>
        %dma_start3A_441 = tpu.memref_slice %arg10[%multiple_of3A_438] : memref<16400xi32, #tpu.memory_space<vmem>> -> memref<8200xi32, #tpu.memory_space<vmem>>
        %dma_start3A_442 = tpu.memref_slice %arg4[%multiple_of3A_435] : memref<4194312xi32, #tpu.memory_space<hbm>> -> memref<8200xi32, #tpu.memory_space<hbm>>
        tpu.enqueue_dma source(%dma_start3A_442 : memref<8200xi32, #tpu.memory_space<hbm>>) target(%dma_start3A_441 : memref<8200xi32, #tpu.memory_space<vmem>>) target_semaphore(%arg13 : memref<!tpu.dma_semaphore, #tpu.memory_space<semaphore_mem>>)
      } else {
      }
      %scan3A_420 = arith.constant 0 : i32
      %scan3A_421 = arith.constant 0 : i32
      %scan3A_422 = arith.constant 512 : i32
      %scan3A_423 = arith.addi %scan3A_421, %scan3A_422 : i32
      %scan3A_424 = arith.constant 1 : i32
      scf.for %scan3A_426 = %scan3A_421 to %scan3A_423 step %scan3A_424  : i32 {
        %add3A_427 = arith.constant 8 : i32
        %add3A_428 = arith.addi %mul3A_400, %add3A_427 : i32
        %mul3A_429 = arith.constant 16 : i32
        %mul3A_430 = arith.muli %scan3A_426, %mul3A_429 : i32
        %add3A_431 = arith.addi %add3A_428, %mul3A_430 : i32
        %get3A_432 = arith.index_cast %add3A_431 : i32 to index
        %get3A_433 = tpu.vector_load %arg10[%get3A_432] {strides = array<i32>} : memref<16400xi32, #tpu.memory_space<vmem>>, vector<16xi32>,
        %add3A_434 = arith.constant 7 : i32
        %add3A_435 = arith.addi %mul3A_400, %add3A_434 : i32
        %mul3A_436 = arith.constant 16 : i32
        %mul3A_437 = arith.muli %scan3A_426, %mul3A_436 : i32
        %add3A_438 = arith.addi %add3A_435, %mul3A_437 : i32
        %get3A_439 = arith.index_cast %add3A_438 : i32 to index
        %get3A_440 = tpu.vector_load %arg10[%get3A_439] {strides = array<i32>} : memref<16400xi32, #tpu.memory_space<vmem>>, vector<16xi32>,
        %shift_right_arithmetic3A = arith.constant 13 : i32
        %shift_right_arithmetic3A_441 = vector.broadcast %shift_right_arithmetic3A : i32 to vector<16xi32>
        %shift_right_arithmetic3A_442 = arith.shrsi %get3A_433, %shift_right_arithmetic3A_441 : vector<16xi32>
        %shift_right_arithmetic3A_443 = arith.constant 13 : i32
        %shift_right_arithmetic3A_444 = vector.broadcast %shift_right_arithmetic3A_443 : i32 to vector<16xi32>
        %shift_right_arithmetic3A_445 = arith.shrsi %get3A_440, %shift_right_arithmetic3A_444 : vector<16xi32>
        %mul3A_446 = arith.constant 16 : i32
        %mul3A_447 = arith.muli %scan3A_426, %mul3A_446 : i32
        %add3A_448 = arith.addi %multiple_of3A_405, %mul3A_447 : i32
        %add3A_449 = vector.broadcast %add3A_448 : i32 to vector<16xi32>
        %add3A_450 = arith.addi %add3A_449, %iota3A : vector<16xi32>
        %ne3A_451 = arith.cmpi ne, %shift_right_arithmetic3A_442, %shift_right_arithmetic3A_445 : vector<16xi32>
        %ge3A = vector.broadcast %squeeze3A : i32 to vector<16xi32>
        %ge3A_452 = arith.cmpi sge, %add3A_450, %ge3A : vector<16xi32>
        %and3A_453 = arith.andi %ne3A_451, %ge3A_452 : vector<16xi1>
        %lt3A_454 = vector.broadcast %squeeze3A_5 : i32 to vector<16xi32>
        %lt3A_455 = arith.cmpi slt, %add3A_450, %lt3A_454 : vector<16xi32>
        %and3A_456 = arith.andi %and3A_453, %lt3A_455 : vector<16xi1>
        %sub3A_457 = vector.broadcast %mul3A_2 : i32 to vector<16xi32>
        %sub3A_458 = arith.subi %shift_right_arithmetic3A_442, %sub3A_457 : vector<16xi32>
        tpu.vector_store_idx %arg11[%sub3A_458], %add3A_450 masked %and3A_456 : memref<80xi32, #tpu.memory_space<vmem>>[vector<16xi32>], vector<16xi32>, vector<16xi1>
      }
      %scan3A_425 = arith.constant 512 : i32
    }
    %get3A_53 = arith.constant 64 : index
    %get3A_54 = tpu.vector_load %arg11[%get3A_53] {strides = array<i32>} : memref<80xi32, #tpu.memory_space<vmem>>, vector<16xi32>,
    %neg3A = arith.constant 0 : i32
    %neg3A_55 = vector.broadcast %neg3A : i32 to vector<16xi32>
    %neg3A_56 = arith.subi %neg3A_55, %get3A_54 : vector<16xi32>
    %rev3A = arith.constant 15 : i32
    %rev3A_57 = vector.broadcast %rev3A : i32 to vector<16xi32>
    %rev3A_58 = tpu.iota {dimensions = array<i32: 0>} : vector<16xi32>
    %rev3A_59 = arith.subi %rev3A_57, %rev3A_58 : vector<16xi32>
    %rev3A_60 = tpu.dynamic_gather %neg3A_56[%rev3A_59] in [0] : vector<16xi32>, vector<16xi32> -> vector<16xi32>
    %broadcast_in_dim3A_61 = arith.constant true
    %broadcast_in_dim3A_62 = vector.broadcast %broadcast_in_dim3A_61 : i1 to vector<16xi1>
    %masked_cummax3A = arith.constant -2147483648 : i32
    %masked_cummax3A_63 = vector.broadcast %masked_cummax3A : i32 to vector<16xi32>
    %masked_cummax3A_64 = arith.xori %rev3A_60, %masked_cummax3A_63 : vector<16xi32>
    %masked_cummax3A_65 = tpu.scan <max>, %masked_cummax3A_64 masked %broadcast_in_dim3A_62 : vector<16xi32>, vector<16xi1> -> vector<16xi32>
    %masked_cummax3A_66 = arith.xori %masked_cummax3A_65, %masked_cummax3A_63 : vector<16xi32>
    %rev3A_67 = arith.constant 15 : i32
    %rev3A_68 = vector.broadcast %rev3A_67 : i32 to vector<16xi32>
    %rev3A_69 = tpu.iota {dimensions = array<i32: 0>} : vector<16xi32>
    %rev3A_70 = arith.subi %rev3A_68, %rev3A_69 : vector<16xi32>
    %rev3A_71 = tpu.dynamic_gather %masked_cummax3A_66[%rev3A_70] in [0] : vector<16xi32>, vector<16xi32> -> vector<16xi32>
    %neg3A_72 = arith.constant 0 : i32
    %neg3A_73 = arith.constant 1073741824 : i32
    %neg3A_74 = arith.subi %neg3A_72, %neg3A_73 : i32
    %max3A_75 = vector.broadcast %neg3A_74 : i32 to vector<16xi32>
    %max3A_76 = arith.maxsi %rev3A_71, %max3A_75 : vector<16xi32>
    %neg3A_77 = arith.constant 0 : i32
    %neg3A_78 = vector.broadcast %neg3A_77 : i32 to vector<16xi32>
    %neg3A_79 = arith.subi %neg3A_78, %max3A_76 : vector<16xi32>
    %swap3A_80 = arith.constant 64 : index
    %swap3A_81 = tpu.vector_load %arg11[%swap3A_80] {strides = array<i32>} : memref<80xi32, #tpu.memory_space<vmem>>, vector<16xi32>,
    tpu.vector_store %arg11[%swap3A_80], %neg3A_79 {strides = array<i32>} : memref<80xi32, #tpu.memory_space<vmem>>, vector<16xi32>,
    %slice3A_82 = vector.extract_strided_slice %max3A_76 {offsets = [0], sizes = [1], strides = [1]} : vector<16xi32> to vector<1xi32>
    %squeeze3A_83 = vector.extract %slice3A_82[0] : i32 from vector<1xi32>
    %neg3A_84 = arith.constant 0 : i32
    %neg3A_85 = arith.subi %neg3A_84, %squeeze3A_83 : i32
    %get3A_86 = arith.constant 48 : index
    %get3A_87 = tpu.vector_load %arg11[%get3A_86] {strides = array<i32>} : memref<80xi32, #tpu.memory_space<vmem>>, vector<16xi32>,
    %neg3A_88 = arith.constant 0 : i32
    %neg3A_89 = vector.broadcast %neg3A_88 : i32 to vector<16xi32>
    %neg3A_90 = arith.subi %neg3A_89, %get3A_87 : vector<16xi32>
    %rev3A_91 = arith.constant 15 : i32
    %rev3A_92 = vector.broadcast %rev3A_91 : i32 to vector<16xi32>
    %rev3A_93 = tpu.iota {dimensions = array<i32: 0>} : vector<16xi32>
    %rev3A_94 = arith.subi %rev3A_92, %rev3A_93 : vector<16xi32>
    %rev3A_95 = tpu.dynamic_gather %neg3A_90[%rev3A_94] in [0] : vector<16xi32>, vector<16xi32> -> vector<16xi32>
    %broadcast_in_dim3A_96 = arith.constant true
    %broadcast_in_dim3A_97 = vector.broadcast %broadcast_in_dim3A_96 : i1 to vector<16xi1>
    %masked_cummax3A_98 = arith.constant -2147483648 : i32
    %masked_cummax3A_99 = vector.broadcast %masked_cummax3A_98 : i32 to vector<16xi32>
    %masked_cummax3A_100 = arith.xori %rev3A_95, %masked_cummax3A_99 : vector<16xi32>
    %masked_cummax3A_101 = tpu.scan <max>, %masked_cummax3A_100 masked %broadcast_in_dim3A_97 : vector<16xi32>, vector<16xi1> -> vector<16xi32>
    %masked_cummax3A_102 = arith.xori %masked_cummax3A_101, %masked_cummax3A_99 : vector<16xi32>
    %rev3A_103 = arith.constant 15 : i32
    %rev3A_104 = vector.broadcast %rev3A_103 : i32 to vector<16xi32>
    %rev3A_105 = tpu.iota {dimensions = array<i32: 0>} : vector<16xi32>
    %rev3A_106 = arith.subi %rev3A_104, %rev3A_105 : vector<16xi32>
    %rev3A_107 = tpu.dynamic_gather %masked_cummax3A_102[%rev3A_106] in [0] : vector<16xi32>, vector<16xi32> -> vector<16xi32>
    %neg3A_108 = arith.constant 0 : i32
    %neg3A_109 = arith.subi %neg3A_108, %neg3A_85 : i32
    %max3A_110 = vector.broadcast %neg3A_109 : i32 to vector<16xi32>
    %max3A_111 = arith.maxsi %rev3A_107, %max3A_110 : vector<16xi32>
    %neg3A_112 = arith.constant 0 : i32
    %neg3A_113 = vector.broadcast %neg3A_112 : i32 to vector<16xi32>
    %neg3A_114 = arith.subi %neg3A_113, %max3A_111 : vector<16xi32>
    %swap3A_115 = arith.constant 48 : index
    %swap3A_116 = tpu.vector_load %arg11[%swap3A_115] {strides = array<i32>} : memref<80xi32, #tpu.memory_space<vmem>>, vector<16xi32>,
    tpu.vector_store %arg11[%swap3A_115], %neg3A_114 {strides = array<i32>} : memref<80xi32, #tpu.memory_space<vmem>>, vector<16xi32>,
    %slice3A_117 = vector.extract_strided_slice %max3A_111 {offsets = [0], sizes = [1], strides = [1]} : vector<16xi32> to vector<1xi32>
    %squeeze3A_118 = vector.extract %slice3A_117[0] : i32 from vector<1xi32>
    %neg3A_119 = arith.constant 0 : i32
    %neg3A_120 = arith.subi %neg3A_119, %squeeze3A_118 : i32
    %get3A_121 = arith.constant 32 : index
    %get3A_122 = tpu.vector_load %arg11[%get3A_121] {strides = array<i32>} : memref<80xi32, #tpu.memory_space<vmem>>, vector<16xi32>,
    %neg3A_123 = arith.constant 0 : i32
    %neg3A_124 = vector.broadcast %neg3A_123 : i32 to vector<16xi32>
    %neg3A_125 = arith.subi %neg3A_124, %get3A_122 : vector<16xi32>
    %rev3A_126 = arith.constant 15 : i32
    %rev3A_127 = vector.broadcast %rev3A_126 : i32 to vector<16xi32>
    %rev3A_128 = tpu.iota {dimensions = array<i32: 0>} : vector<16xi32>
    %rev3A_129 = arith.subi %rev3A_127, %rev3A_128 : vector<16xi32>
    %rev3A_130 = tpu.dynamic_gather %neg3A_125[%rev3A_129] in [0] : vector<16xi32>, vector<16xi32> -> vector<16xi32>
    %broadcast_in_dim3A_131 = arith.constant true
    %broadcast_in_dim3A_132 = vector.broadcast %broadcast_in_dim3A_131 : i1 to vector<16xi1>
    %masked_cummax3A_133 = arith.constant -2147483648 : i32
    %masked_cummax3A_134 = vector.broadcast %masked_cummax3A_133 : i32 to vector<16xi32>
    %masked_cummax3A_135 = arith.xori %rev3A_130, %masked_cummax3A_134 : vector<16xi32>
    %masked_cummax3A_136 = tpu.scan <max>, %masked_cummax3A_135 masked %broadcast_in_dim3A_132 : vector<16xi32>, vector<16xi1> -> vector<16xi32>
    %masked_cummax3A_137 = arith.xori %masked_cummax3A_136, %masked_cummax3A_134 : vector<16xi32>
    %rev3A_138 = arith.constant 15 : i32
    %rev3A_139 = vector.broadcast %rev3A_138 : i32 to vector<16xi32>
    %rev3A_140 = tpu.iota {dimensions = array<i32: 0>} : vector<16xi32>
    %rev3A_141 = arith.subi %rev3A_139, %rev3A_140 : vector<16xi32>
    %rev3A_142 = tpu.dynamic_gather %masked_cummax3A_137[%rev3A_141] in [0] : vector<16xi32>, vector<16xi32> -> vector<16xi32>
    %neg3A_143 = arith.constant 0 : i32
    %neg3A_144 = arith.subi %neg3A_143, %neg3A_120 : i32
    %max3A_145 = vector.broadcast %neg3A_144 : i32 to vector<16xi32>
    %max3A_146 = arith.maxsi %rev3A_142, %max3A_145 : vector<16xi32>
    %neg3A_147 = arith.constant 0 : i32
    %neg3A_148 = vector.broadcast %neg3A_147 : i32 to vector<16xi32>
    %neg3A_149 = arith.subi %neg3A_148, %max3A_146 : vector<16xi32>
    %swap3A_150 = arith.constant 32 : index
    %swap3A_151 = tpu.vector_load %arg11[%swap3A_150] {strides = array<i32>} : memref<80xi32, #tpu.memory_space<vmem>>, vector<16xi32>,
    tpu.vector_store %arg11[%swap3A_150], %neg3A_149 {strides = array<i32>} : memref<80xi32, #tpu.memory_space<vmem>>, vector<16xi32>,
    %slice3A_152 = vector.extract_strided_slice %max3A_146 {offsets = [0], sizes = [1], strides = [1]} : vector<16xi32> to vector<1xi32>
    %squeeze3A_153 = vector.extract %slice3A_152[0] : i32 from vector<1xi32>
    %neg3A_154 = arith.constant 0 : i32
    %neg3A_155 = arith.subi %neg3A_154, %squeeze3A_153 : i32
    %get3A_156 = arith.constant 16 : index
    %get3A_157 = tpu.vector_load %arg11[%get3A_156] {strides = array<i32>} : memref<80xi32, #tpu.memory_space<vmem>>, vector<16xi32>,
    %neg3A_158 = arith.constant 0 : i32
    %neg3A_159 = vector.broadcast %neg3A_158 : i32 to vector<16xi32>
    %neg3A_160 = arith.subi %neg3A_159, %get3A_157 : vector<16xi32>
    %rev3A_161 = arith.constant 15 : i32
    %rev3A_162 = vector.broadcast %rev3A_161 : i32 to vector<16xi32>
    %rev3A_163 = tpu.iota {dimensions = array<i32: 0>} : vector<16xi32>
    %rev3A_164 = arith.subi %rev3A_162, %rev3A_163 : vector<16xi32>
    %rev3A_165 = tpu.dynamic_gather %neg3A_160[%rev3A_164] in [0] : vector<16xi32>, vector<16xi32> -> vector<16xi32>
    %broadcast_in_dim3A_166 = arith.constant true
    %broadcast_in_dim3A_167 = vector.broadcast %broadcast_in_dim3A_166 : i1 to vector<16xi1>
    %masked_cummax3A_168 = arith.constant -2147483648 : i32
    %masked_cummax3A_169 = vector.broadcast %masked_cummax3A_168 : i32 to vector<16xi32>
    %masked_cummax3A_170 = arith.xori %rev3A_165, %masked_cummax3A_169 : vector<16xi32>
    %masked_cummax3A_171 = tpu.scan <max>, %masked_cummax3A_170 masked %broadcast_in_dim3A_167 : vector<16xi32>, vector<16xi1> -> vector<16xi32>
    %masked_cummax3A_172 = arith.xori %masked_cummax3A_171, %masked_cummax3A_169 : vector<16xi32>
    %rev3A_173 = arith.constant 15 : i32
    %rev3A_174 = vector.broadcast %rev3A_173 : i32 to vector<16xi32>
    %rev3A_175 = tpu.iota {dimensions = array<i32: 0>} : vector<16xi32>
    %rev3A_176 = arith.subi %rev3A_174, %rev3A_175 : vector<16xi32>
    %rev3A_177 = tpu.dynamic_gather %masked_cummax3A_172[%rev3A_176] in [0] : vector<16xi32>, vector<16xi32> -> vector<16xi32>
    %neg3A_178 = arith.constant 0 : i32
    %neg3A_179 = arith.subi %neg3A_178, %neg3A_155 : i32
    %max3A_180 = vector.broadcast %neg3A_179 : i32 to vector<16xi32>
    %max3A_181 = arith.maxsi %rev3A_177, %max3A_180 : vector<16xi32>
    %neg3A_182 = arith.constant 0 : i32
    %neg3A_183 = vector.broadcast %neg3A_182 : i32 to vector<16xi32>
    %neg3A_184 = arith.subi %neg3A_183, %max3A_181 : vector<16xi32>
    %swap3A_185 = arith.constant 16 : index
    %swap3A_186 = tpu.vector_load %arg11[%swap3A_185] {strides = array<i32>} : memref<80xi32, #tpu.memory_space<vmem>>, vector<16xi32>,
    tpu.vector_store %arg11[%swap3A_185], %neg3A_184 {strides = array<i32>} : memref<80xi32, #tpu.memory_space<vmem>>, vector<16xi32>,
    %slice3A_187 = vector.extract_strided_slice %max3A_181 {offsets = [0], sizes = [1], strides = [1]} : vector<16xi32> to vector<1xi32>
    %squeeze3A_188 = vector.extract %slice3A_187[0] : i32 from vector<1xi32>
    %neg3A_189 = arith.constant 0 : i32
    %neg3A_190 = arith.subi %neg3A_189, %squeeze3A_188 : i32
    %get3A_191 = arith.constant 0 : index
    %get3A_192 = tpu.vector_load %arg11[%get3A_191] {strides = array<i32>} : memref<80xi32, #tpu.memory_space<vmem>>, vector<16xi32>,
    %neg3A_193 = arith.constant 0 : i32
    %neg3A_194 = vector.broadcast %neg3A_193 : i32 to vector<16xi32>
    %neg3A_195 = arith.subi %neg3A_194, %get3A_192 : vector<16xi32>
    %rev3A_196 = arith.constant 15 : i32
    %rev3A_197 = vector.broadcast %rev3A_196 : i32 to vector<16xi32>
    %rev3A_198 = tpu.iota {dimensions = array<i32: 0>} : vector<16xi32>
    %rev3A_199 = arith.subi %rev3A_197, %rev3A_198 : vector<16xi32>
    %rev3A_200 = tpu.dynamic_gather %neg3A_195[%rev3A_199] in [0] : vector<16xi32>, vector<16xi32> -> vector<16xi32>
    %broadcast_in_dim3A_201 = arith.constant true
    %broadcast_in_dim3A_202 = vector.broadcast %broadcast_in_dim3A_201 : i1 to vector<16xi1>
    %masked_cummax3A_203 = arith.constant -2147483648 : i32
    %masked_cummax3A_204 = vector.broadcast %masked_cummax3A_203 : i32 to vector<16xi32>
    %masked_cummax3A_205 = arith.xori %rev3A_200, %masked_cummax3A_204 : vector<16xi32>
    %masked_cummax3A_206 = tpu.scan <max>, %masked_cummax3A_205 masked %broadcast_in_dim3A_202 : vector<16xi32>, vector<16xi1> -> vector<16xi32>
    %masked_cummax3A_207 = arith.xori %masked_cummax3A_206, %masked_cummax3A_204 : vector<16xi32>
    %rev3A_208 = arith.constant 15 : i32
    %rev3A_209 = vector.broadcast %rev3A_208 : i32 to vector<16xi32>
    %rev3A_210 = tpu.iota {dimensions = array<i32: 0>} : vector<16xi32>
    %rev3A_211 = arith.subi %rev3A_209, %rev3A_210 : vector<16xi32>
    %rev3A_212 = tpu.dynamic_gather %masked_cummax3A_207[%rev3A_211] in [0] : vector<16xi32>, vector<16xi32> -> vector<16xi32>
    %neg3A_213 = arith.constant 0 : i32
    %neg3A_214 = arith.subi %neg3A_213, %neg3A_190 : i32
    %max3A_215 = vector.broadcast %neg3A_214 : i32 to vector<16xi32>
    %max3A_216 = arith.maxsi %rev3A_212, %max3A_215 : vector<16xi32>
    %neg3A_217 = arith.constant 0 : i32
    %neg3A_218 = vector.broadcast %neg3A_217 : i32 to vector<16xi32>
    %neg3A_219 = arith.subi %neg3A_218, %max3A_216 : vector<16xi32>
    %swap3A_220 = arith.constant 0 : index
    %swap3A_221 = tpu.vector_load %arg11[%swap3A_220] {strides = array<i32>} : memref<80xi32, #tpu.memory_space<vmem>>, vector<16xi32>,
    tpu.vector_store %arg11[%swap3A_220], %neg3A_219 {strides = array<i32>} : memref<80xi32, #tpu.memory_space<vmem>>, vector<16xi32>,
    %slice3A_222 = vector.extract_strided_slice %max3A_216 {offsets = [0], sizes = [1], strides = [1]} : vector<16xi32> to vector<1xi32>
    %squeeze3A_223 = vector.extract %slice3A_222[0] : i32 from vector<1xi32>
    %neg3A_224 = arith.constant 0 : i32
    %neg3A_225 = arith.subi %neg3A_224, %squeeze3A_223 : i32
    %mul3A_226 = arith.constant 524288 : i32
    %mul3A_227 = arith.muli %add3A, %mul3A_226 : i32
    %add3A_228 = arith.constant 0 : i32
    %add3A_229 = arith.addi %mul3A_227, %add3A_228 : i32
    %jit3A_230 = arith.constant 1024 : i32
    %div3A_231 = arith.divsi %add3A_229, %jit3A_230 : i32
    %sign3A_232 = arith.constant 0 : i32
    %sign3A_233 = arith.cmpi sgt, %add3A_229, %sign3A_232 : i32
    %sign3A_234 = arith.extui %sign3A_233 : i1 to i32
    %sign3A_235 = arith.constant 0 : i32
    %sign3A_236 = arith.cmpi slt, %add3A_229, %sign3A_235 : i32
    %sign3A_237 = arith.extui %sign3A_236 : i1 to i32
    %sign3A_238 = arith.subi %sign3A_234, %sign3A_237 : i32
    %sign3A_239 = arith.constant 0 : i32
    %sign3A_240 = arith.cmpi sgt, %jit3A_230, %sign3A_239 : i32
    %sign3A_241 = arith.extui %sign3A_240 : i1 to i32
    %sign3A_242 = arith.constant 0 : i32
    %sign3A_243 = arith.cmpi slt, %jit3A_230, %sign3A_242 : i32
    %sign3A_244 = arith.extui %sign3A_243 : i1 to i32
    %sign3A_245 = arith.subi %sign3A_241, %sign3A_244 : i32
    %ne3A_246 = arith.cmpi ne, %sign3A_238, %sign3A_245 : i32
    %rem3A_247 = arith.remsi %add3A_229, %jit3A_230 : i32
    %ne3A_248 = arith.constant 0 : i32
    %ne3A_249 = arith.cmpi ne, %rem3A_247, %ne3A_248 : i32
    %and3A_250 = arith.andi %ne3A_246, %ne3A_249 : i1
    %sub3A_251 = arith.constant 1 : i32
    %sub3A_252 = arith.subi %div3A_231, %sub3A_251 : i32
    %select_n3A_253 = arith.select %and3A_250, %sub3A_252, %div3A_231 : i32
    %multiple_of3A = tpu.assume_multiple %select_n3A_253, 8 : i32
    %multiple_of3A_254 = arith.constant 0 : i32
    %multiple_of3A_255 = tpu.assume_multiple %multiple_of3A_254, 8 : i32
    %dma_start3A = arith.constant 0 : i32
    %dma_start3A_256 = tpu.memref_slice %arg7[%multiple_of3A_255, %dma_start3A] : memref<32x1024xf32, #tpu.memory_space<vmem>> -> memref<8x1024xf32, #tpu.memory_space<vmem>>
    %dma_start3A_257 = arith.constant 0 : i32
    %dma_start3A_258 = tpu.memref_slice %arg2[%multiple_of3A, %dma_start3A_257] : memref<16384x1024xf32, #tpu.memory_space<hbm>> -> memref<8x1024xf32, #tpu.memory_space<hbm>>
    %dma_start3A_259 = arith.constant 0 : i32
    %dma_start3A_260 = tpu.memref_slice %arg7[%multiple_of3A_255, %dma_start3A_259] : memref<32x1024xf32, #tpu.memory_space<vmem>> -> memref<8x1024xf32, #tpu.memory_space<vmem>>
    %dma_start3A_261 = arith.constant 0 : i32
    %dma_start3A_262 = tpu.memref_slice %arg2[%multiple_of3A, %dma_start3A_261] : memref<16384x1024xf32, #tpu.memory_space<hbm>> -> memref<8x1024xf32, #tpu.memory_space<hbm>>
    tpu.enqueue_dma source(%dma_start3A_262 : memref<8x1024xf32, #tpu.memory_space<hbm>>) target(%dma_start3A_260 : memref<8x1024xf32, #tpu.memory_space<vmem>>) target_semaphore(%arg13 : memref<!tpu.dma_semaphore, #tpu.memory_space<semaphore_mem>>)
    %mul3A_263 = arith.constant 524288 : i32
    %mul3A_264 = arith.muli %add3A, %mul3A_263 : i32
    %add3A_265 = arith.constant 8192 : i32
    %add3A_266 = arith.addi %mul3A_264, %add3A_265 : i32
    %jit3A_267 = arith.constant 1024 : i32
    %div3A_268 = arith.divsi %add3A_266, %jit3A_267 : i32
    %sign3A_269 = arith.constant 0 : i32
    %sign3A_270 = arith.cmpi sgt, %add3A_266, %sign3A_269 : i32
    %sign3A_271 = arith.extui %sign3A_270 : i1 to i32
    %sign3A_272 = arith.constant 0 : i32
    %sign3A_273 = arith.cmpi slt, %add3A_266, %sign3A_272 : i32
    %sign3A_274 = arith.extui %sign3A_273 : i1 to i32
    %sign3A_275 = arith.subi %sign3A_271, %sign3A_274 : i32
    %sign3A_276 = arith.constant 0 : i32
    %sign3A_277 = arith.cmpi sgt, %jit3A_267, %sign3A_276 : i32
    %sign3A_278 = arith.extui %sign3A_277 : i1 to i32
    %sign3A_279 = arith.constant 0 : i32
    %sign3A_280 = arith.cmpi slt, %jit3A_267, %sign3A_279 : i32
    %sign3A_281 = arith.extui %sign3A_280 : i1 to i32
    %sign3A_282 = arith.subi %sign3A_278, %sign3A_281 : i32
    %ne3A_283 = arith.cmpi ne, %sign3A_275, %sign3A_282 : i32
    %rem3A_284 = arith.remsi %add3A_266, %jit3A_267 : i32
    %ne3A_285 = arith.constant 0 : i32
    %ne3A_286 = arith.cmpi ne, %rem3A_284, %ne3A_285 : i32
    %and3A_287 = arith.andi %ne3A_283, %ne3A_286 : i1
    %sub3A_288 = arith.constant 1 : i32
    %sub3A_289 = arith.subi %div3A_268, %sub3A_288 : i32
    %select_n3A_290 = arith.select %and3A_287, %sub3A_289, %div3A_268 : i32
    %multiple_of3A_291 = tpu.assume_multiple %select_n3A_290, 8 : i32
    %multiple_of3A_292 = arith.constant 8 : i32
    %multiple_of3A_293 = tpu.assume_multiple %multiple_of3A_292, 8 : i32
    %dma_start3A_294 = arith.constant 0 : i32
    %dma_start3A_295 = tpu.memref_slice %arg7[%multiple_of3A_293, %dma_start3A_294] : memref<32x1024xf32, #tpu.memory_space<vmem>> -> memref<8x1024xf32, #tpu.memory_space<vmem>>
    %dma_start3A_296 = arith.constant 0 : i32
    %dma_start3A_297 = tpu.memref_slice %arg2[%multiple_of3A_291, %dma_start3A_296] : memref<16384x1024xf32, #tpu.memory_space<hbm>> -> memref<8x1024xf32, #tpu.memory_space<hbm>>
    %dma_start3A_298 = arith.constant 0 : i32
    %dma_start3A_299 = tpu.memref_slice %arg7[%multiple_of3A_293, %dma_start3A_298] : memref<32x1024xf32, #tpu.memory_space<vmem>> -> memref<8x1024xf32, #tpu.memory_space<vmem>>
    %dma_start3A_300 = arith.constant 0 : i32
    %dma_start3A_301 = tpu.memref_slice %arg2[%multiple_of3A_291, %dma_start3A_300] : memref<16384x1024xf32, #tpu.memory_space<hbm>> -> memref<8x1024xf32, #tpu.memory_space<hbm>>
    tpu.enqueue_dma source(%dma_start3A_301 : memref<8x1024xf32, #tpu.memory_space<hbm>>) target(%dma_start3A_299 : memref<8x1024xf32, #tpu.memory_space<vmem>>) target_semaphore(%arg13 : memref<!tpu.dma_semaphore, #tpu.memory_space<semaphore_mem>>)
    %get3A_302 = arith.constant 0 : index
    %get3A_303 = tpu.vector_load %arg11[%get3A_302] {strides = array<i32>} : memref<80xi32, #tpu.memory_space<vmem>>, vector<16xi32>,
    %slice3A_304 = vector.extract_strided_slice %get3A_303 {offsets = [0], sizes = [1], strides = [1]} : vector<16xi32> to vector<1xi32>
    %squeeze3A_305 = vector.extract %slice3A_304[0] : i32 from vector<1xi32>
    %slice3A_306 = vector.extract_strided_slice %get3A_303 {offsets = [1], sizes = [1], strides = [1]} : vector<16xi32> to vector<1xi32>
    %squeeze3A_307 = vector.extract %slice3A_306[0] : i32 from vector<1xi32>
    %not3A_308 = arith.constant 7 : i32
    %not3A_309 = arith.constant -1 : i32
    %not3A_310 = arith.xori %not3A_308, %not3A_309 : i32
    %and3A_311 = arith.andi %squeeze3A_305, %not3A_310 : i32
    %sub3A_312 = arith.subi %squeeze3A_307, %and3A_311 : i32
    %add3A_313 = arith.constant 2048 : i32
    %add3A_314 = arith.addi %sub3A_312, %add3A_313 : i32
    %sub3A_315 = arith.constant 1 : i32
    %sub3A_316 = arith.subi %add3A_314, %sub3A_315 : i32
    %jit3A_317 = arith.constant 2048 : i32
    %div3A_318 = arith.divsi %sub3A_316, %jit3A_317 : i32
    %sign3A_319 = arith.constant 0 : i32
    %sign3A_320 = arith.cmpi sgt, %sub3A_316, %sign3A_319 : i32
    %sign3A_321 = arith.extui %sign3A_320 : i1 to i32
    %sign3A_322 = arith.constant 0 : i32
    %sign3A_323 = arith.cmpi slt, %sub3A_316, %sign3A_322 : i32
    %sign3A_324 = arith.extui %sign3A_323 : i1 to i32
    %sign3A_325 = arith.subi %sign3A_321, %sign3A_324 : i32
    %sign3A_326 = arith.constant 0 : i32
    %sign3A_327 = arith.cmpi sgt, %jit3A_317, %sign3A_326 : i32
    %sign3A_328 = arith.extui %sign3A_327 : i1 to i32
    %sign3A_329 = arith.constant 0 : i32
    %sign3A_330 = arith.cmpi slt, %jit3A_317, %sign3A_329 : i32
    %sign3A_331 = arith.extui %sign3A_330 : i1 to i32
    %sign3A_332 = arith.subi %sign3A_328, %sign3A_331 : i32
    %ne3A_333 = arith.cmpi ne, %sign3A_325, %sign3A_332 : i32
    %rem3A_334 = arith.remsi %sub3A_316, %jit3A_317 : i32
    %ne3A_335 = arith.constant 0 : i32
    %ne3A_336 = arith.cmpi ne, %rem3A_334, %ne3A_335 : i32
    %and3A_337 = arith.andi %ne3A_333, %ne3A_336 : i1
    %sub3A_338 = arith.constant 1 : i32
    %sub3A_339 = arith.subi %div3A_318, %sub3A_338 : i32
    %select_n3A_340 = arith.select %and3A_337, %sub3A_339, %div3A_318 : i32
    %max3A_341 = arith.constant 0 : i32
    %max3A_342 = arith.maxsi %max3A_341, %select_n3A_340 : i32
    %gt3A_343 = arith.constant 0 : i32
    %gt3A_344 = arith.cmpi sgt, %max3A_342, %gt3A_343 : i32
    %convert_element_type3A_345 = arith.extui %gt3A_344 : i1 to i32
    %cond3A_346 = arith.constant 0 : i32
    %cond3A_347 = arith.cmpi ne, %convert_element_type3A_345, %cond3A_346 : i32
    scf.if %cond3A_347 {
      %add3A_396 = arith.constant 0 : i32
      %add3A_397 = arith.addi %and3A_311, %add3A_396 : i32
      %min3A = arith.constant 4192256 : i32
      %min3A_398 = arith.minsi %add3A_397, %min3A : i32
      %multiple_of3A_399 = tpu.assume_multiple %min3A_398, 8 : i32
      %multiple_of3A_400 = arith.constant 0 : i32
      %multiple_of3A_401 = tpu.assume_multiple %multiple_of3A_400, 8 : i32
      %add3A_402 = arith.constant 8 : i32
      %add3A_403 = arith.addi %multiple_of3A_399, %add3A_402 : i32
      %dma_start3A_404 = tpu.memref_slice %arg8[%multiple_of3A_401] : memref<20480xi32, #tpu.memory_space<vmem>> -> memref<2048xi32, #tpu.memory_space<vmem>>
      %dma_start3A_405 = tpu.memref_slice %arg4[%add3A_403] : memref<4194312xi32, #tpu.memory_space<hbm>> -> memref<2048xi32, #tpu.memory_space<hbm>>
      %dma_start3A_406 = tpu.memref_slice %arg8[%multiple_of3A_401] : memref<20480xi32, #tpu.memory_space<vmem>> -> memref<2048xi32, #tpu.memory_space<vmem>>
      %dma_start3A_407 = tpu.memref_slice %arg4[%add3A_403] : memref<4194312xi32, #tpu.memory_space<hbm>> -> memref<2048xi32, #tpu.memory_space<hbm>>
      tpu.enqueue_dma source(%dma_start3A_407 : memref<2048xi32, #tpu.memory_space<hbm>>) target(%dma_start3A_406 : memref<2048xi32, #tpu.memory_space<vmem>>) target_semaphore(%arg15 : memref<!tpu.dma_semaphore, #tpu.memory_space<semaphore_mem>>)
      %dma_start3A_408 = tpu.memref_slice %arg9[%multiple_of3A_401] : memref<20480xf32, #tpu.memory_space<vmem>> -> memref<2048xf32, #tpu.memory_space<vmem>>
      %dma_start3A_409 = tpu.memref_slice %arg3[%multiple_of3A_399] : memref<4194304xf32, #tpu.memory_space<hbm>> -> memref<2048xf32, #tpu.memory_space<hbm>>
      %dma_start3A_410 = tpu.memref_slice %arg9[%multiple_of3A_401] : memref<20480xf32, #tpu.memory_space<vmem>> -> memref<2048xf32, #tpu.memory_space<vmem>>
      %dma_start3A_411 = tpu.memref_slice %arg3[%multiple_of3A_399] : memref<4194304xf32, #tpu.memory_space<hbm>> -> memref<2048xf32, #tpu.memory_space<hbm>>
      tpu.enqueue_dma source(%dma_start3A_411 : memref<2048xf32, #tpu.memory_space<hbm>>) target(%dma_start3A_410 : memref<2048xf32, #tpu.memory_space<vmem>>) target_semaphore(%arg15 : memref<!tpu.dma_semaphore, #tpu.memory_space<semaphore_mem>>)
    } else {
    }
    %gt3A_348 = arith.constant 1 : i32
    %gt3A_349 = arith.cmpi sgt, %max3A_342, %gt3A_348 : i32
    %convert_element_type3A_350 = arith.extui %gt3A_349 : i1 to i32
    %cond3A_351 = arith.constant 0 : i32
    %cond3A_352 = arith.cmpi ne, %convert_element_type3A_350, %cond3A_351 : i32
    scf.if %cond3A_352 {
      %add3A_396 = arith.constant 2048 : i32
      %add3A_397 = arith.addi %and3A_311, %add3A_396 : i32
      %min3A = arith.constant 4192256 : i32
      %min3A_398 = arith.minsi %add3A_397, %min3A : i32
      %multiple_of3A_399 = tpu.assume_multiple %min3A_398, 8 : i32
      %multiple_of3A_400 = arith.constant 2048 : i32
      %multiple_of3A_401 = tpu.assume_multiple %multiple_of3A_400, 8 : i32
      %add3A_402 = arith.constant 8 : i32
      %add3A_403 = arith.addi %multiple_of3A_399, %add3A_402 : i32
      %dma_start3A_404 = tpu.memref_slice %arg8[%multiple_of3A_401] : memref<20480xi32, #tpu.memory_space<vmem>> -> memref<2048xi32, #tpu.memory_space<vmem>>
      %dma_start3A_405 = tpu.memref_slice %arg4[%add3A_403] : memref<4194312xi32, #tpu.memory_space<hbm>> -> memref<2048xi32, #tpu.memory_space<hbm>>
      %dma_start3A_406 = tpu.memref_slice %arg8[%multiple_of3A_401] : memref<20480xi32, #tpu.memory_space<vmem>> -> memref<2048xi32, #tpu.memory_space<vmem>>
      %dma_start3A_407 = tpu.memref_slice %arg4[%add3A_403] : memref<4194312xi32, #tpu.memory_space<hbm>> -> memref<2048xi32, #tpu.memory_space<hbm>>
      tpu.enqueue_dma source(%dma_start3A_407 : memref<2048xi32, #tpu.memory_space<hbm>>) target(%dma_start3A_406 : memref<2048xi32, #tpu.memory_space<vmem>>) target_semaphore(%arg15 : memref<!tpu.dma_semaphore, #tpu.memory_space<semaphore_mem>>)
      %dma_start3A_408 = tpu.memref_slice %arg9[%multiple_of3A_401] : memref<20480xf32, #tpu.memory_space<vmem>> -> memref<2048xf32, #tpu.memory_space<vmem>>
      %dma_start3A_409 = tpu.memref_slice %arg3[%multiple_of3A_399] : memref<4194304xf32, #tpu.memory_space<hbm>> -> memref<2048xf32, #tpu.memory_space<hbm>>
      %dma_start3A_410 = tpu.memref_slice %arg9[%multiple_of3A_401] : memref<20480xf32, #tpu.memory_space<vmem>> -> memref<2048xf32, #tpu.memory_space<vmem>>
      %dma_start3A_411 = tpu.memref_slice %arg3[%multiple_of3A_399] : memref<4194304xf32, #tpu.memory_space<hbm>> -> memref<2048xf32, #tpu.memory_space<hbm>>
      tpu.enqueue_dma source(%dma_start3A_411 : memref<2048xf32, #tpu.memory_space<hbm>>) target(%dma_start3A_410 : memref<2048xf32, #tpu.memory_space<vmem>>) target_semaphore(%arg15 : memref<!tpu.dma_semaphore, #tpu.memory_space<semaphore_mem>>)
    } else {
    }
    %gt3A_353 = arith.constant 2 : i32
    %gt3A_354 = arith.cmpi sgt, %max3A_342, %gt3A_353 : i32
    %convert_element_type3A_355 = arith.extui %gt3A_354 : i1 to i32
    %cond3A_356 = arith.constant 0 : i32
    %cond3A_357 = arith.cmpi ne, %convert_element_type3A_355, %cond3A_356 : i32
    scf.if %cond3A_357 {
      %add3A_396 = arith.constant 4096 : i32
      %add3A_397 = arith.addi %and3A_311, %add3A_396 : i32
      %min3A = arith.constant 4192256 : i32
      %min3A_398 = arith.minsi %add3A_397, %min3A : i32
      %multiple_of3A_399 = tpu.assume_multiple %min3A_398, 8 : i32
      %multiple_of3A_400 = arith.constant 4096 : i32
      %multiple_of3A_401 = tpu.assume_multiple %multiple_of3A_400, 8 : i32
      %add3A_402 = arith.constant 8 : i32
      %add3A_403 = arith.addi %multiple_of3A_399, %add3A_402 : i32
      %dma_start3A_404 = tpu.memref_slice %arg8[%multiple_of3A_401] : memref<20480xi32, #tpu.memory_space<vmem>> -> memref<2048xi32, #tpu.memory_space<vmem>>
      %dma_start3A_405 = tpu.memref_slice %arg4[%add3A_403] : memref<4194312xi32, #tpu.memory_space<hbm>> -> memref<2048xi32, #tpu.memory_space<hbm>>
      %dma_start3A_406 = tpu.memref_slice %arg8[%multiple_of3A_401] : memref<20480xi32, #tpu.memory_space<vmem>> -> memref<2048xi32, #tpu.memory_space<vmem>>
      %dma_start3A_407 = tpu.memref_slice %arg4[%add3A_403] : memref<4194312xi32, #tpu.memory_space<hbm>> -> memref<2048xi32, #tpu.memory_space<hbm>>
      tpu.enqueue_dma source(%dma_start3A_407 : memref<2048xi32, #tpu.memory_space<hbm>>) target(%dma_start3A_406 : memref<2048xi32, #tpu.memory_space<vmem>>) target_semaphore(%arg15 : memref<!tpu.dma_semaphore, #tpu.memory_space<semaphore_mem>>)
      %dma_start3A_408 = tpu.memref_slice %arg9[%multiple_of3A_401] : memref<20480xf32, #tpu.memory_space<vmem>> -> memref<2048xf32, #tpu.memory_space<vmem>>
      %dma_start3A_409 = tpu.memref_slice %arg3[%multiple_of3A_399] : memref<4194304xf32, #tpu.memory_space<hbm>> -> memref<2048xf32, #tpu.memory_space<hbm>>
      %dma_start3A_410 = tpu.memref_slice %arg9[%multiple_of3A_401] : memref<20480xf32, #tpu.memory_space<vmem>> -> memref<2048xf32, #tpu.memory_space<vmem>>
      %dma_start3A_411 = tpu.memref_slice %arg3[%multiple_of3A_399] : memref<4194304xf32, #tpu.memory_space<hbm>> -> memref<2048xf32, #tpu.memory_space<hbm>>
      tpu.enqueue_dma source(%dma_start3A_411 : memref<2048xf32, #tpu.memory_space<hbm>>) target(%dma_start3A_410 : memref<2048xf32, #tpu.memory_space<vmem>>) target_semaphore(%arg15 : memref<!tpu.dma_semaphore, #tpu.memory_space<semaphore_mem>>)
    } else {
    }
    %gt3A_358 = arith.constant 3 : i32
    %gt3A_359 = arith.cmpi sgt, %max3A_342, %gt3A_358 : i32
    %convert_element_type3A_360 = arith.extui %gt3A_359 : i1 to i32
    %cond3A_361 = arith.constant 0 : i32
    %cond3A_362 = arith.cmpi ne, %convert_element_type3A_360, %cond3A_361 : i32
    scf.if %cond3A_362 {
      %add3A_396 = arith.constant 6144 : i32
      %add3A_397 = arith.addi %and3A_311, %add3A_396 : i32
      %min3A = arith.constant 4192256 : i32
      %min3A_398 = arith.minsi %add3A_397, %min3A : i32
      %multiple_of3A_399 = tpu.assume_multiple %min3A_398, 8 : i32
      %multiple_of3A_400 = arith.constant 6144 : i32
      %multiple_of3A_401 = tpu.assume_multiple %multiple_of3A_400, 8 : i32
      %add3A_402 = arith.constant 8 : i32
      %add3A_403 = arith.addi %multiple_of3A_399, %add3A_402 : i32
      %dma_start3A_404 = tpu.memref_slice %arg8[%multiple_of3A_401] : memref<20480xi32, #tpu.memory_space<vmem>> -> memref<2048xi32, #tpu.memory_space<vmem>>
      %dma_start3A_405 = tpu.memref_slice %arg4[%add3A_403] : memref<4194312xi32, #tpu.memory_space<hbm>> -> memref<2048xi32, #tpu.memory_space<hbm>>
      %dma_start3A_406 = tpu.memref_slice %arg8[%multiple_of3A_401] : memref<20480xi32, #tpu.memory_space<vmem>> -> memref<2048xi32, #tpu.memory_space<vmem>>
      %dma_start3A_407 = tpu.memref_slice %arg4[%add3A_403] : memref<4194312xi32, #tpu.memory_space<hbm>> -> memref<2048xi32, #tpu.memory_space<hbm>>
      tpu.enqueue_dma source(%dma_start3A_407 : memref<2048xi32, #tpu.memory_space<hbm>>) target(%dma_start3A_406 : memref<2048xi32, #tpu.memory_space<vmem>>) target_semaphore(%arg15 : memref<!tpu.dma_semaphore, #tpu.memory_space<semaphore_mem>>)
      %dma_start3A_408 = tpu.memref_slice %arg9[%multiple_of3A_401] : memref<20480xf32, #tpu.memory_space<vmem>> -> memref<2048xf32, #tpu.memory_space<vmem>>
      %dma_start3A_409 = tpu.memref_slice %arg3[%multiple_of3A_399] : memref<4194304xf32, #tpu.memory_space<hbm>> -> memref<2048xf32, #tpu.memory_space<hbm>>
      %dma_start3A_410 = tpu.memref_slice %arg9[%multiple_of3A_401] : memref<20480xf32, #tpu.memory_space<vmem>> -> memref<2048xf32, #tpu.memory_space<vmem>>
      %dma_start3A_411 = tpu.memref_slice %arg3[%multiple_of3A_399] : memref<4194304xf32, #tpu.memory_space<hbm>> -> memref<2048xf32, #tpu.memory_space<hbm>>
      tpu.enqueue_dma source(%dma_start3A_411 : memref<2048xf32, #tpu.memory_space<hbm>>) target(%dma_start3A_410 : memref<2048xf32, #tpu.memory_space<vmem>>) target_semaphore(%arg15 : memref<!tpu.dma_semaphore, #tpu.memory_space<semaphore_mem>>)
    } else {
    }
    %gt3A_363 = arith.constant 4 : i32
    %gt3A_364 = arith.cmpi sgt, %max3A_342, %gt3A_363 : i32
    %convert_element_type3A_365 = arith.extui %gt3A_364 : i1 to i32
    %cond3A_366 = arith.constant 0 : i32
    %cond3A_367 = arith.cmpi ne, %convert_element_type3A_365, %cond3A_366 : i32
    scf.if %cond3A_367 {
      %add3A_396 = arith.constant 8192 : i32
      %add3A_397 = arith.addi %and3A_311, %add3A_396 : i32
      %min3A = arith.constant 4192256 : i32
      %min3A_398 = arith.minsi %add3A_397, %min3A : i32
      %multiple_of3A_399 = tpu.assume_multiple %min3A_398, 8 : i32
      %multiple_of3A_400 = arith.constant 8192 : i32
      %multiple_of3A_401 = tpu.assume_multiple %multiple_of3A_400, 8 : i32
      %add3A_402 = arith.constant 8 : i32
      %add3A_403 = arith.addi %multiple_of3A_399, %add3A_402 : i32
      %dma_start3A_404 = tpu.memref_slice %arg8[%multiple_of3A_401] : memref<20480xi32, #tpu.memory_space<vmem>> -> memref<2048xi32, #tpu.memory_space<vmem>>
      %dma_start3A_405 = tpu.memref_slice %arg4[%add3A_403] : memref<4194312xi32, #tpu.memory_space<hbm>> -> memref<2048xi32, #tpu.memory_space<hbm>>
      %dma_start3A_406 = tpu.memref_slice %arg8[%multiple_of3A_401] : memref<20480xi32, #tpu.memory_space<vmem>> -> memref<2048xi32, #tpu.memory_space<vmem>>
      %dma_start3A_407 = tpu.memref_slice %arg4[%add3A_403] : memref<4194312xi32, #tpu.memory_space<hbm>> -> memref<2048xi32, #tpu.memory_space<hbm>>
      tpu.enqueue_dma source(%dma_start3A_407 : memref<2048xi32, #tpu.memory_space<hbm>>) target(%dma_start3A_406 : memref<2048xi32, #tpu.memory_space<vmem>>) target_semaphore(%arg15 : memref<!tpu.dma_semaphore, #tpu.memory_space<semaphore_mem>>)
      %dma_start3A_408 = tpu.memref_slice %arg9[%multiple_of3A_401] : memref<20480xf32, #tpu.memory_space<vmem>> -> memref<2048xf32, #tpu.memory_space<vmem>>
      %dma_start3A_409 = tpu.memref_slice %arg3[%multiple_of3A_399] : memref<4194304xf32, #tpu.memory_space<hbm>> -> memref<2048xf32, #tpu.memory_space<hbm>>
      %dma_start3A_410 = tpu.memref_slice %arg9[%multiple_of3A_401] : memref<20480xf32, #tpu.memory_space<vmem>> -> memref<2048xf32, #tpu.memory_space<vmem>>
      %dma_start3A_411 = tpu.memref_slice %arg3[%multiple_of3A_399] : memref<4194304xf32, #tpu.memory_space<hbm>> -> memref<2048xf32, #tpu.memory_space<hbm>>
      tpu.enqueue_dma source(%dma_start3A_411 : memref<2048xf32, #tpu.memory_space<hbm>>) target(%dma_start3A_410 : memref<2048xf32, #tpu.memory_space<vmem>>) target_semaphore(%arg15 : memref<!tpu.dma_semaphore, #tpu.memory_space<semaphore_mem>>)
    } else {
    }
    %scan3A = arith.constant 0 : i32
    %scan3A_368 = arith.constant 0 : i32
    %scan3A_369 = arith.constant 64 : i32
    %scan3A_370 = arith.addi %scan3A_368, %scan3A_369 : i32
    %scan3A_371 = arith.constant 1 : i32
    scf.for %scan3A_396 = %scan3A_368 to %scan3A_370 step %scan3A_371  : i32 {
      %rem3A_397 = arith.constant 4 : i32
      %rem3A_398 = arith.remsi %scan3A_396, %rem3A_397 : i32
      %rem3A_399 = arith.constant 2 : i32
      %rem3A_400 = arith.remsi %scan3A_396, %rem3A_399 : i32
      %get3A_401 = arith.index_cast %scan3A_396 : i32 to index
      %get3A_402 = tpu.vector_load %arg11[%get3A_401] {strides = array<i32>} : memref<80xi32, #tpu.memory_space<vmem>>, vector<16xi32>,
      %slice3A_403 = vector.extract_strided_slice %get3A_402 {offsets = [0], sizes = [1], strides = [1]} : vector<16xi32> to vector<1xi32>
      %squeeze3A_404 = vector.extract %slice3A_403[0] : i32 from vector<1xi32>
      %slice3A_405 = vector.extract_strided_slice %get3A_402 {offsets = [1], sizes = [1], strides = [1]} : vector<16xi32> to vector<1xi32>
      %squeeze3A_406 = vector.extract %slice3A_405[0] : i32 from vector<1xi32>
      %not3A_407 = arith.constant 7 : i32
      %not3A_408 = arith.constant -1 : i32
      %not3A_409 = arith.xori %not3A_407, %not3A_408 : i32
      %and3A_410 = arith.andi %squeeze3A_404, %not3A_409 : i32
      %sub3A_411 = arith.subi %squeeze3A_406, %and3A_410 : i32
      %add3A_412 = arith.constant 2048 : i32
      %add3A_413 = arith.addi %sub3A_411, %add3A_412 : i32
      %sub3A_414 = arith.constant 1 : i32
      %sub3A_415 = arith.subi %add3A_413, %sub3A_414 : i32
      %jit3A_416 = arith.constant 2048 : i32
      %div3A_417 = arith.divsi %sub3A_415, %jit3A_416 : i32
      %sign3A_418 = arith.constant 0 : i32
      %sign3A_419 = arith.cmpi sgt, %sub3A_415, %sign3A_418 : i32
      %sign3A_420 = arith.extui %sign3A_419 : i1 to i32
      %sign3A_421 = arith.constant 0 : i32
      %sign3A_422 = arith.cmpi slt, %sub3A_415, %sign3A_421 : i32
      %sign3A_423 = arith.extui %sign3A_422 : i1 to i32
      %sign3A_424 = arith.subi %sign3A_420, %sign3A_423 : i32
      %sign3A_425 = arith.constant 0 : i32
      %sign3A_426 = arith.cmpi sgt, %jit3A_416, %sign3A_425 : i32
      %sign3A_427 = arith.extui %sign3A_426 : i1 to i32
      %sign3A_428 = arith.constant 0 : i32
      %sign3A_429 = arith.cmpi slt, %jit3A_416, %sign3A_428 : i32
      %sign3A_430 = arith.extui %sign3A_429 : i1 to i32
      %sign3A_431 = arith.subi %sign3A_427, %sign3A_430 : i32
      %ne3A_432 = arith.cmpi ne, %sign3A_424, %sign3A_431 : i32
      %rem3A_433 = arith.remsi %sub3A_415, %jit3A_416 : i32
      %ne3A_434 = arith.constant 0 : i32
      %ne3A_435 = arith.cmpi ne, %rem3A_433, %ne3A_434 : i32
      %and3A_436 = arith.andi %ne3A_432, %ne3A_435 : i1
      %sub3A_437 = arith.constant 1 : i32
      %sub3A_438 = arith.subi %div3A_417, %sub3A_437 : i32
      %select_n3A_439 = arith.select %and3A_436, %sub3A_438, %div3A_417 : i32
      %max3A_440 = arith.constant 0 : i32
      %max3A_441 = arith.maxsi %max3A_440, %select_n3A_439 : i32
      %mul3A_442 = arith.constant 8192 : i32
      %mul3A_443 = arith.muli %rem3A_398, %mul3A_442 : i32
      %mul3A_444 = arith.constant 524288 : i32
      %mul3A_445 = arith.muli %add3A, %mul3A_444 : i32
      %mul3A_446 = arith.constant 8192 : i32
      %mul3A_447 = arith.muli %scan3A_396, %mul3A_446 : i32
      %add3A_448 = arith.addi %mul3A_445, %mul3A_447 : i32
      %sub3A_449 = arith.subi %mul3A_443, %add3A_448 : i32
      %mul3A_450 = arith.constant 8 : i32
      %mul3A_451 = arith.muli %rem3A_398, %mul3A_450 : i32
      %multiple_of3A_452 = tpu.assume_multiple %mul3A_451, 8 : i32
      %dma_wait3A_453 = arith.constant 0 : i32
      %dma_wait3A_454 = tpu.memref_slice %arg7[%multiple_of3A_452, %dma_wait3A_453] : memref<32x1024xf32, #tpu.memory_space<vmem>> -> memref<8x1024xf32, #tpu.memory_space<vmem>>
      %dma_wait3A_455 = arith.constant 0 : i32
      %dma_wait3A_456 = arith.constant 0 : i32
      %dma_wait3A_457 = tpu.memref_slice %arg2[%dma_wait3A_455, %dma_wait3A_456] : memref<16384x1024xf32, #tpu.memory_space<hbm>> -> memref<8x1024xf32, #tpu.memory_space<hbm>>
      %dma_wait3A_458 = arith.constant 0 : i32
      %dma_wait3A_459 = tpu.memref_slice %arg7[%multiple_of3A_452, %dma_wait3A_458] : memref<32x1024xf32, #tpu.memory_space<vmem>> -> memref<8x1024xf32, #tpu.memory_space<vmem>>
      %dma_wait3A_460 = arith.constant 0 : i32
      %dma_wait3A_461 = arith.constant 0 : i32
      %dma_wait3A_462 = tpu.memref_slice %arg2[%dma_wait3A_460, %dma_wait3A_461] : memref<16384x1024xf32, #tpu.memory_space<hbm>> -> memref<8x1024xf32, #tpu.memory_space<hbm>>
      tpu.wait_dma2 semaphore(%arg13 : memref<!tpu.dma_semaphore, #tpu.memory_space<semaphore_mem>>) src(%dma_wait3A_462 : memref<8x1024xf32, #tpu.memory_space<hbm>>) dst(%dma_wait3A_459 : memref<8x1024xf32, #tpu.memory_space<vmem>>)
      %gt3A_463 = arith.constant 0 : i32
      %gt3A_464 = arith.cmpi sgt, %max3A_441, %gt3A_463 : i32
      %convert_element_type3A_465 = arith.extui %gt3A_464 : i1 to i32
      %cond3A_466 = arith.constant 0 : i32
      %cond3A_467 = arith.cmpi ne, %convert_element_type3A_465, %cond3A_466 : i32
      scf.if %cond3A_467 {
        %mul3A_794 = arith.constant 10240 : i32
        %mul3A_795 = arith.muli %rem3A_400, %mul3A_794 : i32
        %add3A_796 = arith.constant 0 : i32
        %add3A_797 = arith.addi %mul3A_795, %add3A_796 : i32
        %multiple_of3A_798 = tpu.assume_multiple %add3A_797, 8 : i32
        %dma_wait3A_799 = tpu.memref_slice %arg8[%multiple_of3A_798] : memref<20480xi32, #tpu.memory_space<vmem>> -> memref<2048xi32, #tpu.memory_space<vmem>>
        %dma_wait3A_800 = arith.constant 8 : i32
        %dma_wait3A_801 = tpu.memref_slice %arg4[%dma_wait3A_800] : memref<4194312xi32, #tpu.memory_space<hbm>> -> memref<2048xi32, #tpu.memory_space<hbm>>
        %dma_wait3A_802 = tpu.memref_slice %arg8[%multiple_of3A_798] : memref<20480xi32, #tpu.memory_space<vmem>> -> memref<2048xi32, #tpu.memory_space<vmem>>
        %dma_wait3A_803 = arith.constant 8 : i32
        %dma_wait3A_804 = tpu.memref_slice %arg4[%dma_wait3A_803] : memref<4194312xi32, #tpu.memory_space<hbm>> -> memref<2048xi32, #tpu.memory_space<hbm>>
        tpu.wait_dma2 semaphore(%arg15 : memref<!tpu.dma_semaphore, #tpu.memory_space<semaphore_mem>>) src(%dma_wait3A_804 : memref<2048xi32, #tpu.memory_space<hbm>>) dst(%dma_wait3A_802 : memref<2048xi32, #tpu.memory_space<vmem>>)
        %dma_wait3A_805 = tpu.memref_slice %arg9[%multiple_of3A_798] : memref<20480xf32, #tpu.memory_space<vmem>> -> memref<2048xf32, #tpu.memory_space<vmem>>
        %dma_wait3A_806 = arith.constant 0 : i32
        %dma_wait3A_807 = tpu.memref_slice %arg3[%dma_wait3A_806] : memref<4194304xf32, #tpu.memory_space<hbm>> -> memref<2048xf32, #tpu.memory_space<hbm>>
        %dma_wait3A_808 = tpu.memref_slice %arg9[%multiple_of3A_798] : memref<20480xf32, #tpu.memory_space<vmem>> -> memref<2048xf32, #tpu.memory_space<vmem>>
        %dma_wait3A_809 = arith.constant 0 : i32
        %dma_wait3A_810 = tpu.memref_slice %arg3[%dma_wait3A_809] : memref<4194304xf32, #tpu.memory_space<hbm>> -> memref<2048xf32, #tpu.memory_space<hbm>>
        tpu.wait_dma2 semaphore(%arg15 : memref<!tpu.dma_semaphore, #tpu.memory_space<semaphore_mem>>) src(%dma_wait3A_810 : memref<2048xf32, #tpu.memory_space<hbm>>) dst(%dma_wait3A_808 : memref<2048xf32, #tpu.memory_space<vmem>>)
      } else {
      }
      %gt3A_468 = arith.constant 1 : i32
      %gt3A_469 = arith.cmpi sgt, %max3A_441, %gt3A_468 : i32
      %convert_element_type3A_470 = arith.extui %gt3A_469 : i1 to i32
      %cond3A_471 = arith.constant 0 : i32
      %cond3A_472 = arith.cmpi ne, %convert_element_type3A_470, %cond3A_471 : i32
      scf.if %cond3A_472 {
        %mul3A_794 = arith.constant 10240 : i32
        %mul3A_795 = arith.muli %rem3A_400, %mul3A_794 : i32
        %add3A_796 = arith.constant 2048 : i32
        %add3A_797 = arith.addi %mul3A_795, %add3A_796 : i32
        %multiple_of3A_798 = tpu.assume_multiple %add3A_797, 8 : i32
        %dma_wait3A_799 = tpu.memref_slice %arg8[%multiple_of3A_798] : memref<20480xi32, #tpu.memory_space<vmem>> -> memref<2048xi32, #tpu.memory_space<vmem>>
        %dma_wait3A_800 = arith.constant 8 : i32
        %dma_wait3A_801 = tpu.memref_slice %arg4[%dma_wait3A_800] : memref<4194312xi32, #tpu.memory_space<hbm>> -> memref<2048xi32, #tpu.memory_space<hbm>>
        %dma_wait3A_802 = tpu.memref_slice %arg8[%multiple_of3A_798] : memref<20480xi32, #tpu.memory_space<vmem>> -> memref<2048xi32, #tpu.memory_space<vmem>>
        %dma_wait3A_803 = arith.constant 8 : i32
        %dma_wait3A_804 = tpu.memref_slice %arg4[%dma_wait3A_803] : memref<4194312xi32, #tpu.memory_space<hbm>> -> memref<2048xi32, #tpu.memory_space<hbm>>
        tpu.wait_dma2 semaphore(%arg15 : memref<!tpu.dma_semaphore, #tpu.memory_space<semaphore_mem>>) src(%dma_wait3A_804 : memref<2048xi32, #tpu.memory_space<hbm>>) dst(%dma_wait3A_802 : memref<2048xi32, #tpu.memory_space<vmem>>)
        %dma_wait3A_805 = tpu.memref_slice %arg9[%multiple_of3A_798] : memref<20480xf32, #tpu.memory_space<vmem>> -> memref<2048xf32, #tpu.memory_space<vmem>>
        %dma_wait3A_806 = arith.constant 0 : i32
        %dma_wait3A_807 = tpu.memref_slice %arg3[%dma_wait3A_806] : memref<4194304xf32, #tpu.memory_space<hbm>> -> memref<2048xf32, #tpu.memory_space<hbm>>
        %dma_wait3A_808 = tpu.memref_slice %arg9[%multiple_of3A_798] : memref<20480xf32, #tpu.memory_space<vmem>> -> memref<2048xf32, #tpu.memory_space<vmem>>
        %dma_wait3A_809 = arith.constant 0 : i32
        %dma_wait3A_810 = tpu.memref_slice %arg3[%dma_wait3A_809] : memref<4194304xf32, #tpu.memory_space<hbm>> -> memref<2048xf32, #tpu.memory_space<hbm>>
        tpu.wait_dma2 semaphore(%arg15 : memref<!tpu.dma_semaphore, #tpu.memory_space<semaphore_mem>>) src(%dma_wait3A_810 : memref<2048xf32, #tpu.memory_space<hbm>>) dst(%dma_wait3A_808 : memref<2048xf32, #tpu.memory_space<vmem>>)
      } else {
      }
      %gt3A_473 = arith.constant 2 : i32
      %gt3A_474 = arith.cmpi sgt, %max3A_441, %gt3A_473 : i32
      %convert_element_type3A_475 = arith.extui %gt3A_474 : i1 to i32
      %cond3A_476 = arith.constant 0 : i32
      %cond3A_477 = arith.cmpi ne, %convert_element_type3A_475, %cond3A_476 : i32
      scf.if %cond3A_477 {
        %mul3A_794 = arith.constant 10240 : i32
        %mul3A_795 = arith.muli %rem3A_400, %mul3A_794 : i32
        %add3A_796 = arith.constant 4096 : i32
        %add3A_797 = arith.addi %mul3A_795, %add3A_796 : i32
        %multiple_of3A_798 = tpu.assume_multiple %add3A_797, 8 : i32
        %dma_wait3A_799 = tpu.memref_slice %arg8[%multiple_of3A_798] : memref<20480xi32, #tpu.memory_space<vmem>> -> memref<2048xi32, #tpu.memory_space<vmem>>
        %dma_wait3A_800 = arith.constant 8 : i32
        %dma_wait3A_801 = tpu.memref_slice %arg4[%dma_wait3A_800] : memref<4194312xi32, #tpu.memory_space<hbm>> -> memref<2048xi32, #tpu.memory_space<hbm>>
        %dma_wait3A_802 = tpu.memref_slice %arg8[%multiple_of3A_798] : memref<20480xi32, #tpu.memory_space<vmem>> -> memref<2048xi32, #tpu.memory_space<vmem>>
        %dma_wait3A_803 = arith.constant 8 : i32
        %dma_wait3A_804 = tpu.memref_slice %arg4[%dma_wait3A_803] : memref<4194312xi32, #tpu.memory_space<hbm>> -> memref<2048xi32, #tpu.memory_space<hbm>>
        tpu.wait_dma2 semaphore(%arg15 : memref<!tpu.dma_semaphore, #tpu.memory_space<semaphore_mem>>) src(%dma_wait3A_804 : memref<2048xi32, #tpu.memory_space<hbm>>) dst(%dma_wait3A_802 : memref<2048xi32, #tpu.memory_space<vmem>>)
        %dma_wait3A_805 = tpu.memref_slice %arg9[%multiple_of3A_798] : memref<20480xf32, #tpu.memory_space<vmem>> -> memref<2048xf32, #tpu.memory_space<vmem>>
        %dma_wait3A_806 = arith.constant 0 : i32
        %dma_wait3A_807 = tpu.memref_slice %arg3[%dma_wait3A_806] : memref<4194304xf32, #tpu.memory_space<hbm>> -> memref<2048xf32, #tpu.memory_space<hbm>>
        %dma_wait3A_808 = tpu.memref_slice %arg9[%multiple_of3A_798] : memref<20480xf32, #tpu.memory_space<vmem>> -> memref<2048xf32, #tpu.memory_space<vmem>>
        %dma_wait3A_809 = arith.constant 0 : i32
        %dma_wait3A_810 = tpu.memref_slice %arg3[%dma_wait3A_809] : memref<4194304xf32, #tpu.memory_space<hbm>> -> memref<2048xf32, #tpu.memory_space<hbm>>
        tpu.wait_dma2 semaphore(%arg15 : memref<!tpu.dma_semaphore, #tpu.memory_space<semaphore_mem>>) src(%dma_wait3A_810 : memref<2048xf32, #tpu.memory_space<hbm>>) dst(%dma_wait3A_808 : memref<2048xf32, #tpu.memory_space<vmem>>)
      } else {
      }
      %gt3A_478 = arith.constant 3 : i32
      %gt3A_479 = arith.cmpi sgt, %max3A_441, %gt3A_478 : i32
      %convert_element_type3A_480 = arith.extui %gt3A_479 : i1 to i32
      %cond3A_481 = arith.constant 0 : i32
      %cond3A_482 = arith.cmpi ne, %convert_element_type3A_480, %cond3A_481 : i32
      scf.if %cond3A_482 {
        %mul3A_794 = arith.constant 10240 : i32
        %mul3A_795 = arith.muli %rem3A_400, %mul3A_794 : i32
        %add3A_796 = arith.constant 6144 : i32
        %add3A_797 = arith.addi %mul3A_795, %add3A_796 : i32
        %multiple_of3A_798 = tpu.assume_multiple %add3A_797, 8 : i32
        %dma_wait3A_799 = tpu.memref_slice %arg8[%multiple_of3A_798] : memref<20480xi32, #tpu.memory_space<vmem>> -> memref<2048xi32, #tpu.memory_space<vmem>>
        %dma_wait3A_800 = arith.constant 8 : i32
        %dma_wait3A_801 = tpu.memref_slice %arg4[%dma_wait3A_800] : memref<4194312xi32, #tpu.memory_space<hbm>> -> memref<2048xi32, #tpu.memory_space<hbm>>
        %dma_wait3A_802 = tpu.memref_slice %arg8[%multiple_of3A_798] : memref<20480xi32, #tpu.memory_space<vmem>> -> memref<2048xi32, #tpu.memory_space<vmem>>
        %dma_wait3A_803 = arith.constant 8 : i32
        %dma_wait3A_804 = tpu.memref_slice %arg4[%dma_wait3A_803] : memref<4194312xi32, #tpu.memory_space<hbm>> -> memref<2048xi32, #tpu.memory_space<hbm>>
        tpu.wait_dma2 semaphore(%arg15 : memref<!tpu.dma_semaphore, #tpu.memory_space<semaphore_mem>>) src(%dma_wait3A_804 : memref<2048xi32, #tpu.memory_space<hbm>>) dst(%dma_wait3A_802 : memref<2048xi32, #tpu.memory_space<vmem>>)
        %dma_wait3A_805 = tpu.memref_slice %arg9[%multiple_of3A_798] : memref<20480xf32, #tpu.memory_space<vmem>> -> memref<2048xf32, #tpu.memory_space<vmem>>
        %dma_wait3A_806 = arith.constant 0 : i32
        %dma_wait3A_807 = tpu.memref_slice %arg3[%dma_wait3A_806] : memref<4194304xf32, #tpu.memory_space<hbm>> -> memref<2048xf32, #tpu.memory_space<hbm>>
        %dma_wait3A_808 = tpu.memref_slice %arg9[%multiple_of3A_798] : memref<20480xf32, #tpu.memory_space<vmem>> -> memref<2048xf32, #tpu.memory_space<vmem>>
        %dma_wait3A_809 = arith.constant 0 : i32
        %dma_wait3A_810 = tpu.memref_slice %arg3[%dma_wait3A_809] : memref<4194304xf32, #tpu.memory_space<hbm>> -> memref<2048xf32, #tpu.memory_space<hbm>>
        tpu.wait_dma2 semaphore(%arg15 : memref<!tpu.dma_semaphore, #tpu.memory_space<semaphore_mem>>) src(%dma_wait3A_810 : memref<2048xf32, #tpu.memory_space<hbm>>) dst(%dma_wait3A_808 : memref<2048xf32, #tpu.memory_space<vmem>>)
      } else {
      }
      %gt3A_483 = arith.constant 4 : i32
      %gt3A_484 = arith.cmpi sgt, %max3A_441, %gt3A_483 : i32
      %convert_element_type3A_485 = arith.extui %gt3A_484 : i1 to i32
      %cond3A_486 = arith.constant 0 : i32
      %cond3A_487 = arith.cmpi ne, %convert_element_type3A_485, %cond3A_486 : i32
      scf.if %cond3A_487 {
        %mul3A_794 = arith.constant 10240 : i32
        %mul3A_795 = arith.muli %rem3A_400, %mul3A_794 : i32
        %add3A_796 = arith.constant 8192 : i32
        %add3A_797 = arith.addi %mul3A_795, %add3A_796 : i32
        %multiple_of3A_798 = tpu.assume_multiple %add3A_797, 8 : i32
        %dma_wait3A_799 = tpu.memref_slice %arg8[%multiple_of3A_798] : memref<20480xi32, #tpu.memory_space<vmem>> -> memref<2048xi32, #tpu.memory_space<vmem>>
        %dma_wait3A_800 = arith.constant 8 : i32
        %dma_wait3A_801 = tpu.memref_slice %arg4[%dma_wait3A_800] : memref<4194312xi32, #tpu.memory_space<hbm>> -> memref<2048xi32, #tpu.memory_space<hbm>>
        %dma_wait3A_802 = tpu.memref_slice %arg8[%multiple_of3A_798] : memref<20480xi32, #tpu.memory_space<vmem>> -> memref<2048xi32, #tpu.memory_space<vmem>>
        %dma_wait3A_803 = arith.constant 8 : i32
        %dma_wait3A_804 = tpu.memref_slice %arg4[%dma_wait3A_803] : memref<4194312xi32, #tpu.memory_space<hbm>> -> memref<2048xi32, #tpu.memory_space<hbm>>
        tpu.wait_dma2 semaphore(%arg15 : memref<!tpu.dma_semaphore, #tpu.memory_space<semaphore_mem>>) src(%dma_wait3A_804 : memref<2048xi32, #tpu.memory_space<hbm>>) dst(%dma_wait3A_802 : memref<2048xi32, #tpu.memory_space<vmem>>)
        %dma_wait3A_805 = tpu.memref_slice %arg9[%multiple_of3A_798] : memref<20480xf32, #tpu.memory_space<vmem>> -> memref<2048xf32, #tpu.memory_space<vmem>>
        %dma_wait3A_806 = arith.constant 0 : i32
        %dma_wait3A_807 = tpu.memref_slice %arg3[%dma_wait3A_806] : memref<4194304xf32, #tpu.memory_space<hbm>> -> memref<2048xf32, #tpu.memory_space<hbm>>
        %dma_wait3A_808 = tpu.memref_slice %arg9[%multiple_of3A_798] : memref<20480xf32, #tpu.memory_space<vmem>> -> memref<2048xf32, #tpu.memory_space<vmem>>
        %dma_wait3A_809 = arith.constant 0 : i32
        %dma_wait3A_810 = tpu.memref_slice %arg3[%dma_wait3A_809] : memref<4194304xf32, #tpu.memory_space<hbm>> -> memref<2048xf32, #tpu.memory_space<hbm>>
        tpu.wait_dma2 semaphore(%arg15 : memref<!tpu.dma_semaphore, #tpu.memory_space<semaphore_mem>>) src(%dma_wait3A_810 : memref<2048xf32, #tpu.memory_space<hbm>>) dst(%dma_wait3A_808 : memref<2048xf32, #tpu.memory_space<vmem>>)
      } else {
      }
      %ge3A = arith.constant 2 : i32
      %ge3A_488 = arith.cmpi sge, %scan3A_396, %ge3A : i32
      %convert_element_type3A_489 = arith.extui %ge3A_488 : i1 to i32
      %cond3A_490 = arith.constant 0 : i32
      %cond3A_491 = arith.cmpi ne, %convert_element_type3A_489, %cond3A_490 : i32
      scf.if %cond3A_491 {
        %add3A_794 = arith.constant 2 : i32
        %add3A_795 = arith.addi %scan3A_396, %add3A_794 : i32
        %rem3A_796 = arith.constant 4 : i32
        %rem3A_797 = arith.remsi %add3A_795, %rem3A_796 : i32
        %mul3A_798 = arith.constant 8 : i32
        %mul3A_799 = arith.muli %rem3A_797, %mul3A_798 : i32
        %multiple_of3A_800 = tpu.assume_multiple %mul3A_799, 8 : i32
        %dma_wait3A_801 = arith.constant 0 : i32
        %dma_wait3A_802 = tpu.memref_slice %arg7[%multiple_of3A_800, %dma_wait3A_801] : memref<32x1024xf32, #tpu.memory_space<vmem>> -> memref<8x1024xf32, #tpu.memory_space<vmem>>
        %dma_wait3A_803 = arith.constant 0 : i32
        %dma_wait3A_804 = arith.constant 0 : i32
        %dma_wait3A_805 = tpu.memref_slice %arg6[%dma_wait3A_803, %dma_wait3A_804] : memref<16384x1024xf32, #tpu.memory_space<hbm>> -> memref<8x1024xf32, #tpu.memory_space<hbm>>
        %dma_wait3A_806 = arith.constant 0 : i32
        %dma_wait3A_807 = arith.constant 0 : i32
        %dma_wait3A_808 = tpu.memref_slice %arg6[%dma_wait3A_806, %dma_wait3A_807] : memref<16384x1024xf32, #tpu.memory_space<hbm>> -> memref<8x1024xf32, #tpu.memory_space<hbm>>
        %dma_wait3A_809 = arith.constant 0 : i32
        %dma_wait3A_810 = tpu.memref_slice %arg7[%multiple_of3A_800, %dma_wait3A_809] : memref<32x1024xf32, #tpu.memory_space<vmem>> -> memref<8x1024xf32, #tpu.memory_space<vmem>>
        tpu.wait_dma2 semaphore(%arg14 : memref<!tpu.dma_semaphore, #tpu.memory_space<semaphore_mem>>) src(%dma_wait3A_810 : memref<8x1024xf32, #tpu.memory_space<vmem>>) dst(%dma_wait3A_808 : memref<8x1024xf32, #tpu.memory_space<hbm>>)
      } else {
      }
      %add3A_492 = arith.constant 2 : i32
      %add3A_493 = arith.addi %scan3A_396, %add3A_492 : i32
      %lt3A = arith.constant 64 : i32
      %lt3A_494 = arith.cmpi slt, %add3A_493, %lt3A : i32
      %convert_element_type3A_495 = arith.extui %lt3A_494 : i1 to i32
      %cond3A_496 = arith.constant 0 : i32
      %cond3A_497 = arith.cmpi ne, %convert_element_type3A_495, %cond3A_496 : i32
      scf.if %cond3A_497 {
        %add3A_794 = arith.constant 2 : i32
        %add3A_795 = arith.addi %scan3A_396, %add3A_794 : i32
        %add3A_796 = arith.constant 2 : i32
        %add3A_797 = arith.addi %scan3A_396, %add3A_796 : i32
        %rem3A_798 = arith.constant 4 : i32
        %rem3A_799 = arith.remsi %add3A_797, %rem3A_798 : i32
        %mul3A_800 = arith.constant 524288 : i32
        %mul3A_801 = arith.muli %add3A, %mul3A_800 : i32
        %mul3A_802 = arith.constant 8192 : i32
        %mul3A_803 = arith.muli %add3A_795, %mul3A_802 : i32
        %add3A_804 = arith.addi %mul3A_801, %mul3A_803 : i32
        %jit3A_805 = arith.constant 1024 : i32
        %div3A_806 = arith.divsi %add3A_804, %jit3A_805 : i32
        %sign3A_807 = arith.constant 0 : i32
        %sign3A_808 = arith.cmpi sgt, %add3A_804, %sign3A_807 : i32
        %sign3A_809 = arith.extui %sign3A_808 : i1 to i32
        %sign3A_810 = arith.constant 0 : i32
        %sign3A_811 = arith.cmpi slt, %add3A_804, %sign3A_810 : i32
        %sign3A_812 = arith.extui %sign3A_811 : i1 to i32
        %sign3A_813 = arith.subi %sign3A_809, %sign3A_812 : i32
        %sign3A_814 = arith.constant 0 : i32
        %sign3A_815 = arith.cmpi sgt, %jit3A_805, %sign3A_814 : i32
        %sign3A_816 = arith.extui %sign3A_815 : i1 to i32
        %sign3A_817 = arith.constant 0 : i32
        %sign3A_818 = arith.cmpi slt, %jit3A_805, %sign3A_817 : i32
        %sign3A_819 = arith.extui %sign3A_818 : i1 to i32
        %sign3A_820 = arith.subi %sign3A_816, %sign3A_819 : i32
        %ne3A_821 = arith.cmpi ne, %sign3A_813, %sign3A_820 : i32
        %rem3A_822 = arith.remsi %add3A_804, %jit3A_805 : i32
        %ne3A_823 = arith.constant 0 : i32
        %ne3A_824 = arith.cmpi ne, %rem3A_822, %ne3A_823 : i32
        %and3A_825 = arith.andi %ne3A_821, %ne3A_824 : i1
        %sub3A_826 = arith.constant 1 : i32
        %sub3A_827 = arith.subi %div3A_806, %sub3A_826 : i32
        %select_n3A_828 = arith.select %and3A_825, %sub3A_827, %div3A_806 : i32
        %multiple_of3A_829 = tpu.assume_multiple %select_n3A_828, 8 : i32
        %mul3A_830 = arith.constant 8 : i32
        %mul3A_831 = arith.muli %rem3A_799, %mul3A_830 : i32
        %multiple_of3A_832 = tpu.assume_multiple %mul3A_831, 8 : i32
        %dma_start3A_833 = arith.constant 0 : i32
        %dma_start3A_834 = tpu.memref_slice %arg7[%multiple_of3A_832, %dma_start3A_833] : memref<32x1024xf32, #tpu.memory_space<vmem>> -> memref<8x1024xf32, #tpu.memory_space<vmem>>
        %dma_start3A_835 = arith.constant 0 : i32
        %dma_start3A_836 = tpu.memref_slice %arg2[%multiple_of3A_829, %dma_start3A_835] : memref<16384x1024xf32, #tpu.memory_space<hbm>> -> memref<8x1024xf32, #tpu.memory_space<hbm>>
        %dma_start3A_837 = arith.constant 0 : i32
        %dma_start3A_838 = tpu.memref_slice %arg7[%multiple_of3A_832, %dma_start3A_837] : memref<32x1024xf32, #tpu.memory_space<vmem>> -> memref<8x1024xf32, #tpu.memory_space<vmem>>
        %dma_start3A_839 = arith.constant 0 : i32
        %dma_start3A_840 = tpu.memref_slice %arg2[%multiple_of3A_829, %dma_start3A_839] : memref<16384x1024xf32, #tpu.memory_space<hbm>> -> memref<8x1024xf32, #tpu.memory_space<hbm>>
        tpu.enqueue_dma source(%dma_start3A_840 : memref<8x1024xf32, #tpu.memory_space<hbm>>) target(%dma_start3A_838 : memref<8x1024xf32, #tpu.memory_space<vmem>>) target_semaphore(%arg13 : memref<!tpu.dma_semaphore, #tpu.memory_space<semaphore_mem>>)
      } else {
      }
      %add3A_498 = arith.constant 1 : i32
      %add3A_499 = arith.addi %scan3A_396, %add3A_498 : i32
      %lt3A_500 = arith.constant 64 : i32
      %lt3A_501 = arith.cmpi slt, %add3A_499, %lt3A_500 : i32
      %convert_element_type3A_502 = arith.extui %lt3A_501 : i1 to i32
      %cond3A_503 = arith.constant 0 : i32
      %cond3A_504 = arith.cmpi ne, %convert_element_type3A_502, %cond3A_503 : i32
      scf.if %cond3A_504 {
        %add3A_794 = arith.constant 1 : i32
        %add3A_795 = arith.addi %scan3A_396, %add3A_794 : i32
        %sub3A_796 = arith.constant 1 : i32
        %sub3A_797 = arith.subi %sub3A_796, %rem3A_400 : i32
        %get3A_798 = arith.index_cast %add3A_795 : i32 to index
        %get3A_799 = tpu.vector_load %arg11[%get3A_798] {strides = array<i32>} : memref<80xi32, #tpu.memory_space<vmem>>, vector<16xi32>,
        %slice3A_800 = vector.extract_strided_slice %get3A_799 {offsets = [0], sizes = [1], strides = [1]} : vector<16xi32> to vector<1xi32>
        %squeeze3A_801 = vector.extract %slice3A_800[0] : i32 from vector<1xi32>
        %slice3A_802 = vector.extract_strided_slice %get3A_799 {offsets = [1], sizes = [1], strides = [1]} : vector<16xi32> to vector<1xi32>
        %squeeze3A_803 = vector.extract %slice3A_802[0] : i32 from vector<1xi32>
        %not3A_804 = arith.constant 7 : i32
        %not3A_805 = arith.constant -1 : i32
        %not3A_806 = arith.xori %not3A_804, %not3A_805 : i32
        %and3A_807 = arith.andi %squeeze3A_801, %not3A_806 : i32
        %sub3A_808 = arith.subi %squeeze3A_803, %and3A_807 : i32
        %add3A_809 = arith.constant 2048 : i32
        %add3A_810 = arith.addi %sub3A_808, %add3A_809 : i32
        %sub3A_811 = arith.constant 1 : i32
        %sub3A_812 = arith.subi %add3A_810, %sub3A_811 : i32
        %jit3A_813 = arith.constant 2048 : i32
        %div3A_814 = arith.divsi %sub3A_812, %jit3A_813 : i32
        %sign3A_815 = arith.constant 0 : i32
        %sign3A_816 = arith.cmpi sgt, %sub3A_812, %sign3A_815 : i32
        %sign3A_817 = arith.extui %sign3A_816 : i1 to i32
        %sign3A_818 = arith.constant 0 : i32
        %sign3A_819 = arith.cmpi slt, %sub3A_812, %sign3A_818 : i32
        %sign3A_820 = arith.extui %sign3A_819 : i1 to i32
        %sign3A_821 = arith.subi %sign3A_817, %sign3A_820 : i32
        %sign3A_822 = arith.constant 0 : i32
        %sign3A_823 = arith.cmpi sgt, %jit3A_813, %sign3A_822 : i32
        %sign3A_824 = arith.extui %sign3A_823 : i1 to i32
        %sign3A_825 = arith.constant 0 : i32
        %sign3A_826 = arith.cmpi slt, %jit3A_813, %sign3A_825 : i32
        %sign3A_827 = arith.extui %sign3A_826 : i1 to i32
        %sign3A_828 = arith.subi %sign3A_824, %sign3A_827 : i32
        %ne3A_829 = arith.cmpi ne, %sign3A_821, %sign3A_828 : i32
        %rem3A_830 = arith.remsi %sub3A_812, %jit3A_813 : i32
        %ne3A_831 = arith.constant 0 : i32
        %ne3A_832 = arith.cmpi ne, %rem3A_830, %ne3A_831 : i32
        %and3A_833 = arith.andi %ne3A_829, %ne3A_832 : i1
        %sub3A_834 = arith.constant 1 : i32
        %sub3A_835 = arith.subi %div3A_814, %sub3A_834 : i32
        %select_n3A_836 = arith.select %and3A_833, %sub3A_835, %div3A_814 : i32
        %max3A_837 = arith.constant 0 : i32
        %max3A_838 = arith.maxsi %max3A_837, %select_n3A_836 : i32
        %gt3A_839 = arith.constant 0 : i32
        %gt3A_840 = arith.cmpi sgt, %max3A_838, %gt3A_839 : i32
        %convert_element_type3A_841 = arith.extui %gt3A_840 : i1 to i32
        %cond3A_842 = arith.constant 0 : i32
        %cond3A_843 = arith.cmpi ne, %convert_element_type3A_841, %cond3A_842 : i32
        scf.if %cond3A_843 {
          %add3A_864 = arith.constant 0 : i32
          %add3A_865 = arith.addi %and3A_807, %add3A_864 : i32
          %min3A_866 = arith.constant 4192256 : i32
          %min3A_867 = arith.minsi %add3A_865, %min3A_866 : i32
          %multiple_of3A_868 = tpu.assume_multiple %min3A_867, 8 : i32
          %mul3A_869 = arith.constant 10240 : i32
          %mul3A_870 = arith.muli %sub3A_797, %mul3A_869 : i32
          %add3A_871 = arith.constant 0 : i32
          %add3A_872 = arith.addi %mul3A_870, %add3A_871 : i32
          %multiple_of3A_873 = tpu.assume_multiple %add3A_872, 8 : i32
          %add3A_874 = arith.constant 8 : i32
          %add3A_875 = arith.addi %multiple_of3A_868, %add3A_874 : i32
          %dma_start3A_876 = tpu.memref_slice %arg8[%multiple_of3A_873] : memref<20480xi32, #tpu.memory_space<vmem>> -> memref<2048xi32, #tpu.memory_space<vmem>>
          %dma_start3A_877 = tpu.memref_slice %arg4[%add3A_875] : memref<4194312xi32, #tpu.memory_space<hbm>> -> memref<2048xi32, #tpu.memory_space<hbm>>
          %dma_start3A_878 = tpu.memref_slice %arg8[%multiple_of3A_873] : memref<20480xi32, #tpu.memory_space<vmem>> -> memref<2048xi32, #tpu.memory_space<vmem>>
          %dma_start3A_879 = tpu.memref_slice %arg4[%add3A_875] : memref<4194312xi32, #tpu.memory_space<hbm>> -> memref<2048xi32, #tpu.memory_space<hbm>>
          tpu.enqueue_dma source(%dma_start3A_879 : memref<2048xi32, #tpu.memory_space<hbm>>) target(%dma_start3A_878 : memref<2048xi32, #tpu.memory_space<vmem>>) target_semaphore(%arg15 : memref<!tpu.dma_semaphore, #tpu.memory_space<semaphore_mem>>)
          %dma_start3A_880 = tpu.memref_slice %arg9[%multiple_of3A_873] : memref<20480xf32, #tpu.memory_space<vmem>> -> memref<2048xf32, #tpu.memory_space<vmem>>
          %dma_start3A_881 = tpu.memref_slice %arg3[%multiple_of3A_868] : memref<4194304xf32, #tpu.memory_space<hbm>> -> memref<2048xf32, #tpu.memory_space<hbm>>
          %dma_start3A_882 = tpu.memref_slice %arg9[%multiple_of3A_873] : memref<20480xf32, #tpu.memory_space<vmem>> -> memref<2048xf32, #tpu.memory_space<vmem>>
          %dma_start3A_883 = tpu.memref_slice %arg3[%multiple_of3A_868] : memref<4194304xf32, #tpu.memory_space<hbm>> -> memref<2048xf32, #tpu.memory_space<hbm>>
          tpu.enqueue_dma source(%dma_start3A_883 : memref<2048xf32, #tpu.memory_space<hbm>>) target(%dma_start3A_882 : memref<2048xf32, #tpu.memory_space<vmem>>) target_semaphore(%arg15 : memref<!tpu.dma_semaphore, #tpu.memory_space<semaphore_mem>>)
        } else {
        }
        %gt3A_844 = arith.constant 1 : i32
        %gt3A_845 = arith.cmpi sgt, %max3A_838, %gt3A_844 : i32
        %convert_element_type3A_846 = arith.extui %gt3A_845 : i1 to i32
        %cond3A_847 = arith.constant 0 : i32
        %cond3A_848 = arith.cmpi ne, %convert_element_type3A_846, %cond3A_847 : i32
        scf.if %cond3A_848 {
          %add3A_864 = arith.constant 2048 : i32
          %add3A_865 = arith.addi %and3A_807, %add3A_864 : i32
          %min3A_866 = arith.constant 4192256 : i32
          %min3A_867 = arith.minsi %add3A_865, %min3A_866 : i32
          %multiple_of3A_868 = tpu.assume_multiple %min3A_867, 8 : i32
          %mul3A_869 = arith.constant 10240 : i32
          %mul3A_870 = arith.muli %sub3A_797, %mul3A_869 : i32
          %add3A_871 = arith.constant 2048 : i32
          %add3A_872 = arith.addi %mul3A_870, %add3A_871 : i32
          %multiple_of3A_873 = tpu.assume_multiple %add3A_872, 8 : i32
          %add3A_874 = arith.constant 8 : i32
          %add3A_875 = arith.addi %multiple_of3A_868, %add3A_874 : i32
          %dma_start3A_876 = tpu.memref_slice %arg8[%multiple_of3A_873] : memref<20480xi32, #tpu.memory_space<vmem>> -> memref<2048xi32, #tpu.memory_space<vmem>>
          %dma_start3A_877 = tpu.memref_slice %arg4[%add3A_875] : memref<4194312xi32, #tpu.memory_space<hbm>> -> memref<2048xi32, #tpu.memory_space<hbm>>
          %dma_start3A_878 = tpu.memref_slice %arg8[%multiple_of3A_873] : memref<20480xi32, #tpu.memory_space<vmem>> -> memref<2048xi32, #tpu.memory_space<vmem>>
          %dma_start3A_879 = tpu.memref_slice %arg4[%add3A_875] : memref<4194312xi32, #tpu.memory_space<hbm>> -> memref<2048xi32, #tpu.memory_space<hbm>>
          tpu.enqueue_dma source(%dma_start3A_879 : memref<2048xi32, #tpu.memory_space<hbm>>) target(%dma_start3A_878 : memref<2048xi32, #tpu.memory_space<vmem>>) target_semaphore(%arg15 : memref<!tpu.dma_semaphore, #tpu.memory_space<semaphore_mem>>)
          %dma_start3A_880 = tpu.memref_slice %arg9[%multiple_of3A_873] : memref<20480xf32, #tpu.memory_space<vmem>> -> memref<2048xf32, #tpu.memory_space<vmem>>
          %dma_start3A_881 = tpu.memref_slice %arg3[%multiple_of3A_868] : memref<4194304xf32, #tpu.memory_space<hbm>> -> memref<2048xf32, #tpu.memory_space<hbm>>
          %dma_start3A_882 = tpu.memref_slice %arg9[%multiple_of3A_873] : memref<20480xf32, #tpu.memory_space<vmem>> -> memref<2048xf32, #tpu.memory_space<vmem>>
          %dma_start3A_883 = tpu.memref_slice %arg3[%multiple_of3A_868] : memref<4194304xf32, #tpu.memory_space<hbm>> -> memref<2048xf32, #tpu.memory_space<hbm>>
          tpu.enqueue_dma source(%dma_start3A_883 : memref<2048xf32, #tpu.memory_space<hbm>>) target(%dma_start3A_882 : memref<2048xf32, #tpu.memory_space<vmem>>) target_semaphore(%arg15 : memref<!tpu.dma_semaphore, #tpu.memory_space<semaphore_mem>>)
        } else {
        }
        %gt3A_849 = arith.constant 2 : i32
        %gt3A_850 = arith.cmpi sgt, %max3A_838, %gt3A_849 : i32
        %convert_element_type3A_851 = arith.extui %gt3A_850 : i1 to i32
        %cond3A_852 = arith.constant 0 : i32
        %cond3A_853 = arith.cmpi ne, %convert_element_type3A_851, %cond3A_852 : i32
        scf.if %cond3A_853 {
          %add3A_864 = arith.constant 4096 : i32
          %add3A_865 = arith.addi %and3A_807, %add3A_864 : i32
          %min3A_866 = arith.constant 4192256 : i32
          %min3A_867 = arith.minsi %add3A_865, %min3A_866 : i32
          %multiple_of3A_868 = tpu.assume_multiple %min3A_867, 8 : i32
          %mul3A_869 = arith.constant 10240 : i32
          %mul3A_870 = arith.muli %sub3A_797, %mul3A_869 : i32
          %add3A_871 = arith.constant 4096 : i32
          %add3A_872 = arith.addi %mul3A_870, %add3A_871 : i32
          %multiple_of3A_873 = tpu.assume_multiple %add3A_872, 8 : i32
          %add3A_874 = arith.constant 8 : i32
          %add3A_875 = arith.addi %multiple_of3A_868, %add3A_874 : i32
          %dma_start3A_876 = tpu.memref_slice %arg8[%multiple_of3A_873] : memref<20480xi32, #tpu.memory_space<vmem>> -> memref<2048xi32, #tpu.memory_space<vmem>>
          %dma_start3A_877 = tpu.memref_slice %arg4[%add3A_875] : memref<4194312xi32, #tpu.memory_space<hbm>> -> memref<2048xi32, #tpu.memory_space<hbm>>
          %dma_start3A_878 = tpu.memref_slice %arg8[%multiple_of3A_873] : memref<20480xi32, #tpu.memory_space<vmem>> -> memref<2048xi32, #tpu.memory_space<vmem>>
          %dma_start3A_879 = tpu.memref_slice %arg4[%add3A_875] : memref<4194312xi32, #tpu.memory_space<hbm>> -> memref<2048xi32, #tpu.memory_space<hbm>>
          tpu.enqueue_dma source(%dma_start3A_879 : memref<2048xi32, #tpu.memory_space<hbm>>) target(%dma_start3A_878 : memref<2048xi32, #tpu.memory_space<vmem>>) target_semaphore(%arg15 : memref<!tpu.dma_semaphore, #tpu.memory_space<semaphore_mem>>)
          %dma_start3A_880 = tpu.memref_slice %arg9[%multiple_of3A_873] : memref<20480xf32, #tpu.memory_space<vmem>> -> memref<2048xf32, #tpu.memory_space<vmem>>
          %dma_start3A_881 = tpu.memref_slice %arg3[%multiple_of3A_868] : memref<4194304xf32, #tpu.memory_space<hbm>> -> memref<2048xf32, #tpu.memory_space<hbm>>
          %dma_start3A_882 = tpu.memref_slice %arg9[%multiple_of3A_873] : memref<20480xf32, #tpu.memory_space<vmem>> -> memref<2048xf32, #tpu.memory_space<vmem>>
          %dma_start3A_883 = tpu.memref_slice %arg3[%multiple_of3A_868] : memref<4194304xf32, #tpu.memory_space<hbm>> -> memref<2048xf32, #tpu.memory_space<hbm>>
          tpu.enqueue_dma source(%dma_start3A_883 : memref<2048xf32, #tpu.memory_space<hbm>>) target(%dma_start3A_882 : memref<2048xf32, #tpu.memory_space<vmem>>) target_semaphore(%arg15 : memref<!tpu.dma_semaphore, #tpu.memory_space<semaphore_mem>>)
        } else {
        }
        %gt3A_854 = arith.constant 3 : i32
        %gt3A_855 = arith.cmpi sgt, %max3A_838, %gt3A_854 : i32
        %convert_element_type3A_856 = arith.extui %gt3A_855 : i1 to i32
        %cond3A_857 = arith.constant 0 : i32
        %cond3A_858 = arith.cmpi ne, %convert_element_type3A_856, %cond3A_857 : i32
        scf.if %cond3A_858 {
          %add3A_864 = arith.constant 6144 : i32
          %add3A_865 = arith.addi %and3A_807, %add3A_864 : i32
          %min3A_866 = arith.constant 4192256 : i32
          %min3A_867 = arith.minsi %add3A_865, %min3A_866 : i32
          %multiple_of3A_868 = tpu.assume_multiple %min3A_867, 8 : i32
          %mul3A_869 = arith.constant 10240 : i32
          %mul3A_870 = arith.muli %sub3A_797, %mul3A_869 : i32
          %add3A_871 = arith.constant 6144 : i32
          %add3A_872 = arith.addi %mul3A_870, %add3A_871 : i32
          %multiple_of3A_873 = tpu.assume_multiple %add3A_872, 8 : i32
          %add3A_874 = arith.constant 8 : i32
          %add3A_875 = arith.addi %multiple_of3A_868, %add3A_874 : i32
          %dma_start3A_876 = tpu.memref_slice %arg8[%multiple_of3A_873] : memref<20480xi32, #tpu.memory_space<vmem>> -> memref<2048xi32, #tpu.memory_space<vmem>>
          %dma_start3A_877 = tpu.memref_slice %arg4[%add3A_875] : memref<4194312xi32, #tpu.memory_space<hbm>> -> memref<2048xi32, #tpu.memory_space<hbm>>
          %dma_start3A_878 = tpu.memref_slice %arg8[%multiple_of3A_873] : memref<20480xi32, #tpu.memory_space<vmem>> -> memref<2048xi32, #tpu.memory_space<vmem>>
          %dma_start3A_879 = tpu.memref_slice %arg4[%add3A_875] : memref<4194312xi32, #tpu.memory_space<hbm>> -> memref<2048xi32, #tpu.memory_space<hbm>>
          tpu.enqueue_dma source(%dma_start3A_879 : memref<2048xi32, #tpu.memory_space<hbm>>) target(%dma_start3A_878 : memref<2048xi32, #tpu.memory_space<vmem>>) target_semaphore(%arg15 : memref<!tpu.dma_semaphore, #tpu.memory_space<semaphore_mem>>)
          %dma_start3A_880 = tpu.memref_slice %arg9[%multiple_of3A_873] : memref<20480xf32, #tpu.memory_space<vmem>> -> memref<2048xf32, #tpu.memory_space<vmem>>
          %dma_start3A_881 = tpu.memref_slice %arg3[%multiple_of3A_868] : memref<4194304xf32, #tpu.memory_space<hbm>> -> memref<2048xf32, #tpu.memory_space<hbm>>
          %dma_start3A_882 = tpu.memref_slice %arg9[%multiple_of3A_873] : memref<20480xf32, #tpu.memory_space<vmem>> -> memref<2048xf32, #tpu.memory_space<vmem>>
          %dma_start3A_883 = tpu.memref_slice %arg3[%multiple_of3A_868] : memref<4194304xf32, #tpu.memory_space<hbm>> -> memref<2048xf32, #tpu.memory_space<hbm>>
          tpu.enqueue_dma source(%dma_start3A_883 : memref<2048xf32, #tpu.memory_space<hbm>>) target(%dma_start3A_882 : memref<2048xf32, #tpu.memory_space<vmem>>) target_semaphore(%arg15 : memref<!tpu.dma_semaphore, #tpu.memory_space<semaphore_mem>>)
        } else {
        }
        %gt3A_859 = arith.constant 4 : i32
        %gt3A_860 = arith.cmpi sgt, %max3A_838, %gt3A_859 : i32
        %convert_element_type3A_861 = arith.extui %gt3A_860 : i1 to i32
        %cond3A_862 = arith.constant 0 : i32
        %cond3A_863 = arith.cmpi ne, %convert_element_type3A_861, %cond3A_862 : i32
        scf.if %cond3A_863 {
          %add3A_864 = arith.constant 8192 : i32
          %add3A_865 = arith.addi %and3A_807, %add3A_864 : i32
          %min3A_866 = arith.constant 4192256 : i32
          %min3A_867 = arith.minsi %add3A_865, %min3A_866 : i32
          %multiple_of3A_868 = tpu.assume_multiple %min3A_867, 8 : i32
          %mul3A_869 = arith.constant 10240 : i32
          %mul3A_870 = arith.muli %sub3A_797, %mul3A_869 : i32
          %add3A_871 = arith.constant 8192 : i32
          %add3A_872 = arith.addi %mul3A_870, %add3A_871 : i32
          %multiple_of3A_873 = tpu.assume_multiple %add3A_872, 8 : i32
          %add3A_874 = arith.constant 8 : i32
          %add3A_875 = arith.addi %multiple_of3A_868, %add3A_874 : i32
          %dma_start3A_876 = tpu.memref_slice %arg8[%multiple_of3A_873] : memref<20480xi32, #tpu.memory_space<vmem>> -> memref<2048xi32, #tpu.memory_space<vmem>>
          %dma_start3A_877 = tpu.memref_slice %arg4[%add3A_875] : memref<4194312xi32, #tpu.memory_space<hbm>> -> memref<2048xi32, #tpu.memory_space<hbm>>
          %dma_start3A_878 = tpu.memref_slice %arg8[%multiple_of3A_873] : memref<20480xi32, #tpu.memory_space<vmem>> -> memref<2048xi32, #tpu.memory_space<vmem>>
          %dma_start3A_879 = tpu.memref_slice %arg4[%add3A_875] : memref<4194312xi32, #tpu.memory_space<hbm>> -> memref<2048xi32, #tpu.memory_space<hbm>>
          tpu.enqueue_dma source(%dma_start3A_879 : memref<2048xi32, #tpu.memory_space<hbm>>) target(%dma_start3A_878 : memref<2048xi32, #tpu.memory_space<vmem>>) target_semaphore(%arg15 : memref<!tpu.dma_semaphore, #tpu.memory_space<semaphore_mem>>)
          %dma_start3A_880 = tpu.memref_slice %arg9[%multiple_of3A_873] : memref<20480xf32, #tpu.memory_space<vmem>> -> memref<2048xf32, #tpu.memory_space<vmem>>
          %dma_start3A_881 = tpu.memref_slice %arg3[%multiple_of3A_868] : memref<4194304xf32, #tpu.memory_space<hbm>> -> memref<2048xf32, #tpu.memory_space<hbm>>
          %dma_start3A_882 = tpu.memref_slice %arg9[%multiple_of3A_873] : memref<20480xf32, #tpu.memory_space<vmem>> -> memref<2048xf32, #tpu.memory_space<vmem>>
          %dma_start3A_883 = tpu.memref_slice %arg3[%multiple_of3A_868] : memref<4194304xf32, #tpu.memory_space<hbm>> -> memref<2048xf32, #tpu.memory_space<hbm>>
          tpu.enqueue_dma source(%dma_start3A_883 : memref<2048xf32, #tpu.memory_space<hbm>>) target(%dma_start3A_882 : memref<2048xf32, #tpu.memory_space<vmem>>) target_semaphore(%arg15 : memref<!tpu.dma_semaphore, #tpu.memory_space<semaphore_mem>>)
        } else {
        }
      } else {
      }
      %add3A_505 = arith.constant 0 : i32
      %add3A_506 = arith.addi %and3A_410, %add3A_505 : i32
      %min3A = arith.constant 4192256 : i32
      %min3A_507 = arith.minsi %add3A_506, %min3A : i32
      %multiple_of3A_508 = tpu.assume_multiple %min3A_507, 8 : i32
      %gt3A_509 = arith.constant 0 : i32
      %gt3A_510 = arith.cmpi sgt, %max3A_441, %gt3A_509 : i32
      %sub3A_511 = arith.subi %squeeze3A_406, %multiple_of3A_508 : i32
      %add3A_512 = arith.constant 15 : i32
      %add3A_513 = arith.addi %sub3A_511, %add3A_512 : i32
      %jit3A_514 = arith.constant 16 : i32
      %div3A_515 = arith.divsi %add3A_513, %jit3A_514 : i32
      %sign3A_516 = arith.constant 0 : i32
      %sign3A_517 = arith.cmpi sgt, %add3A_513, %sign3A_516 : i32
      %sign3A_518 = arith.extui %sign3A_517 : i1 to i32
      %sign3A_519 = arith.constant 0 : i32
      %sign3A_520 = arith.cmpi slt, %add3A_513, %sign3A_519 : i32
      %sign3A_521 = arith.extui %sign3A_520 : i1 to i32
      %sign3A_522 = arith.subi %sign3A_518, %sign3A_521 : i32
      %sign3A_523 = arith.constant 0 : i32
      %sign3A_524 = arith.cmpi sgt, %jit3A_514, %sign3A_523 : i32
      %sign3A_525 = arith.extui %sign3A_524 : i1 to i32
      %sign3A_526 = arith.constant 0 : i32
      %sign3A_527 = arith.cmpi slt, %jit3A_514, %sign3A_526 : i32
      %sign3A_528 = arith.extui %sign3A_527 : i1 to i32
      %sign3A_529 = arith.subi %sign3A_525, %sign3A_528 : i32
      %ne3A_530 = arith.cmpi ne, %sign3A_522, %sign3A_529 : i32
      %rem3A_531 = arith.remsi %add3A_513, %jit3A_514 : i32
      %ne3A_532 = arith.constant 0 : i32
      %ne3A_533 = arith.cmpi ne, %rem3A_531, %ne3A_532 : i32
      %and3A_534 = arith.andi %ne3A_530, %ne3A_533 : i1
      %sub3A_535 = arith.constant 1 : i32
      %sub3A_536 = arith.subi %div3A_515, %sub3A_535 : i32
      %select_n3A_537 = arith.select %and3A_534, %sub3A_536, %div3A_515 : i32
      %clamp3A = arith.constant 0 : i32
      %clamp3A_538 = arith.constant 128 : i32
      %clamp3A_539 = arith.maxsi %select_n3A_537, %clamp3A : i32
      %clamp3A_540 = arith.minsi %clamp3A_539, %clamp3A_538 : i32
      %select_n3A_541 = arith.constant 0 : i32
      %select_n3A_542 = arith.select %gt3A_510, %clamp3A_540, %select_n3A_541 : i32
      %while3A_543 = arith.constant 0 : i32
      %while3A_544 = arith.constant 0 : i32
      %while3A_545 = arith.subi %select_n3A_542, %while3A_544 : i32
      %while3A_546 = arith.addi %while3A_544, %while3A_545 : i32
      %while3A_547 = arith.constant 1 : i32
      %while3A_548 = arith.divsi %while3A_545, %while3A_547 : i32
      %while3A_549 = arith.muli %while3A_548, %while3A_547 : i32
      %while3A_550 = arith.addi %while3A_544, %while3A_549 : i32
      %while3A_551 = arith.constant 1 : i32
      scf.for %while3A_794 = %while3A_544 to %while3A_550 step %while3A_551  : i32 {
        %mul3A_795 = arith.constant 16 : i32
        %mul3A_796 = arith.muli %while3A_794, %mul3A_795 : i32
        %add3A_797 = arith.addi %multiple_of3A_508, %mul3A_796 : i32
        %add3A_798 = vector.broadcast %add3A_797 : i32 to vector<16xi32>
        %add3A_799 = arith.addi %add3A_798, %iota3A : vector<16xi32>
        %mul3A_800 = arith.constant 10240 : i32
        %mul3A_801 = arith.muli %rem3A_400, %mul3A_800 : i32
        %add3A_802 = arith.constant 0 : i32
        %add3A_803 = arith.addi %mul3A_801, %add3A_802 : i32
        %mul3A_804 = arith.constant 16 : i32
        %mul3A_805 = arith.muli %while3A_794, %mul3A_804 : i32
        %add3A_806 = arith.addi %add3A_803, %mul3A_805 : i32
        %get3A_807 = arith.index_cast %add3A_806 : i32 to index
        %get3A_808 = tpu.vector_load %arg8[%get3A_807] {strides = array<i32>} : memref<20480xi32, #tpu.memory_space<vmem>>, vector<16xi32>,
        %mul3A_809 = arith.constant 10240 : i32
        %mul3A_810 = arith.muli %rem3A_400, %mul3A_809 : i32
        %add3A_811 = arith.constant 0 : i32
        %add3A_812 = arith.addi %mul3A_810, %add3A_811 : i32
        %mul3A_813 = arith.constant 16 : i32
        %mul3A_814 = arith.muli %while3A_794, %mul3A_813 : i32
        %add3A_815 = arith.addi %add3A_812, %mul3A_814 : i32
        %get3A_816 = arith.index_cast %add3A_815 : i32 to index
        %get3A_817 = tpu.vector_load %arg9[%get3A_816] {strides = array<i32>} : memref<20480xf32, #tpu.memory_space<vmem>>, vector<16xf32>,
        %ge3A_818 = vector.broadcast %squeeze3A_404 : i32 to vector<16xi32>
        %ge3A_819 = arith.cmpi sge, %add3A_799, %ge3A_818 : vector<16xi32>
        %lt3A_820 = vector.broadcast %squeeze3A_406 : i32 to vector<16xi32>
        %lt3A_821 = arith.cmpi slt, %add3A_799, %lt3A_820 : vector<16xi32>
        %and3A_822 = arith.andi %ge3A_819, %lt3A_821 : vector<16xi1>
        %add3A_823 = vector.broadcast %sub3A_449 : i32 to vector<16xi32>
        %add3A_824 = arith.addi %get3A_808, %add3A_823 : vector<16xi32>
        %shift_right_logical3A = arith.constant 10 : i32
        %shift_right_logical3A_825 = vector.broadcast %shift_right_logical3A : i32 to vector<16xi32>
        %shift_right_logical3A_826 = arith.shrui %add3A_824, %shift_right_logical3A_825 : vector<16xi32>
        %and3A_827 = arith.constant 1023 : i32
        %and3A_828 = vector.broadcast %and3A_827 : i32 to vector<16xi32>
        %and3A_829 = arith.andi %add3A_824, %and3A_828 : vector<16xi32>
        tpu.vector_store_idx %arg7[%shift_right_logical3A_826, %and3A_829], %get3A_817 masked %and3A_822 : memref<32x1024xf32, #tpu.memory_space<vmem>>[vector<16xi32>, vector<16xi32>], vector<16xf32>, vector<16xi1>
      }
      %while3A_552 = arith.constant 1 : i32
      scf.for %while3A_794 = %while3A_550 to %while3A_546 step %while3A_552  : i32 {
        %mul3A_795 = arith.constant 16 : i32
        %mul3A_796 = arith.muli %while3A_794, %mul3A_795 : i32
        %add3A_797 = arith.addi %multiple_of3A_508, %mul3A_796 : i32
        %add3A_798 = vector.broadcast %add3A_797 : i32 to vector<16xi32>
        %add3A_799 = arith.addi %add3A_798, %iota3A : vector<16xi32>
        %mul3A_800 = arith.constant 10240 : i32
        %mul3A_801 = arith.muli %rem3A_400, %mul3A_800 : i32
        %add3A_802 = arith.constant 0 : i32
        %add3A_803 = arith.addi %mul3A_801, %add3A_802 : i32
        %mul3A_804 = arith.constant 16 : i32
        %mul3A_805 = arith.muli %while3A_794, %mul3A_804 : i32
        %add3A_806 = arith.addi %add3A_803, %mul3A_805 : i32
        %get3A_807 = arith.index_cast %add3A_806 : i32 to index
        %get3A_808 = tpu.vector_load %arg8[%get3A_807] {strides = array<i32>} : memref<20480xi32, #tpu.memory_space<vmem>>, vector<16xi32>,
        %mul3A_809 = arith.constant 10240 : i32
        %mul3A_810 = arith.muli %rem3A_400, %mul3A_809 : i32
        %add3A_811 = arith.constant 0 : i32
        %add3A_812 = arith.addi %mul3A_810, %add3A_811 : i32
        %mul3A_813 = arith.constant 16 : i32
        %mul3A_814 = arith.muli %while3A_794, %mul3A_813 : i32
        %add3A_815 = arith.addi %add3A_812, %mul3A_814 : i32
        %get3A_816 = arith.index_cast %add3A_815 : i32 to index
        %get3A_817 = tpu.vector_load %arg9[%get3A_816] {strides = array<i32>} : memref<20480xf32, #tpu.memory_space<vmem>>, vector<16xf32>,
        %ge3A_818 = vector.broadcast %squeeze3A_404 : i32 to vector<16xi32>
        %ge3A_819 = arith.cmpi sge, %add3A_799, %ge3A_818 : vector<16xi32>
        %lt3A_820 = vector.broadcast %squeeze3A_406 : i32 to vector<16xi32>
        %lt3A_821 = arith.cmpi slt, %add3A_799, %lt3A_820 : vector<16xi32>
        %and3A_822 = arith.andi %ge3A_819, %lt3A_821 : vector<16xi1>
        %add3A_823 = vector.broadcast %sub3A_449 : i32 to vector<16xi32>
        %add3A_824 = arith.addi %get3A_808, %add3A_823 : vector<16xi32>
        %shift_right_logical3A = arith.constant 10 : i32
        %shift_right_logical3A_825 = vector.broadcast %shift_right_logical3A : i32 to vector<16xi32>
        %shift_right_logical3A_826 = arith.shrui %add3A_824, %shift_right_logical3A_825 : vector<16xi32>
        %and3A_827 = arith.constant 1023 : i32
        %and3A_828 = vector.broadcast %and3A_827 : i32 to vector<16xi32>
        %and3A_829 = arith.andi %add3A_824, %and3A_828 : vector<16xi32>
        tpu.vector_store_idx %arg7[%shift_right_logical3A_826, %and3A_829], %get3A_817 masked %and3A_822 : memref<32x1024xf32, #tpu.memory_space<vmem>>[vector<16xi32>, vector<16xi32>], vector<16xf32>, vector<16xi1>
      }
      %add3A_553 = arith.constant 2048 : i32
      %add3A_554 = arith.addi %and3A_410, %add3A_553 : i32
      %min3A_555 = arith.constant 4192256 : i32
      %min3A_556 = arith.minsi %add3A_554, %min3A_555 : i32
      %multiple_of3A_557 = tpu.assume_multiple %min3A_556, 8 : i32
      %gt3A_558 = arith.constant 1 : i32
      %gt3A_559 = arith.cmpi sgt, %max3A_441, %gt3A_558 : i32
      %sub3A_560 = arith.subi %squeeze3A_406, %multiple_of3A_557 : i32
      %add3A_561 = arith.constant 15 : i32
      %add3A_562 = arith.addi %sub3A_560, %add3A_561 : i32
      %jit3A_563 = arith.constant 16 : i32
      %div3A_564 = arith.divsi %add3A_562, %jit3A_563 : i32
      %sign3A_565 = arith.constant 0 : i32
      %sign3A_566 = arith.cmpi sgt, %add3A_562, %sign3A_565 : i32
      %sign3A_567 = arith.extui %sign3A_566 : i1 to i32
      %sign3A_568 = arith.constant 0 : i32
      %sign3A_569 = arith.cmpi slt, %add3A_562, %sign3A_568 : i32
      %sign3A_570 = arith.extui %sign3A_569 : i1 to i32
      %sign3A_571 = arith.subi %sign3A_567, %sign3A_570 : i32
      %sign3A_572 = arith.constant 0 : i32
      %sign3A_573 = arith.cmpi sgt, %jit3A_563, %sign3A_572 : i32
      %sign3A_574 = arith.extui %sign3A_573 : i1 to i32
      %sign3A_575 = arith.constant 0 : i32
      %sign3A_576 = arith.cmpi slt, %jit3A_563, %sign3A_575 : i32
      %sign3A_577 = arith.extui %sign3A_576 : i1 to i32
      %sign3A_578 = arith.subi %sign3A_574, %sign3A_577 : i32
      %ne3A_579 = arith.cmpi ne, %sign3A_571, %sign3A_578 : i32
      %rem3A_580 = arith.remsi %add3A_562, %jit3A_563 : i32
      %ne3A_581 = arith.constant 0 : i32
      %ne3A_582 = arith.cmpi ne, %rem3A_580, %ne3A_581 : i32
      %and3A_583 = arith.andi %ne3A_579, %ne3A_582 : i1
      %sub3A_584 = arith.constant 1 : i32
      %sub3A_585 = arith.subi %div3A_564, %sub3A_584 : i32
      %select_n3A_586 = arith.select %and3A_583, %sub3A_585, %div3A_564 : i32
      %clamp3A_587 = arith.constant 0 : i32
      %clamp3A_588 = arith.constant 128 : i32
      %clamp3A_589 = arith.maxsi %select_n3A_586, %clamp3A_587 : i32
      %clamp3A_590 = arith.minsi %clamp3A_589, %clamp3A_588 : i32
      %select_n3A_591 = arith.constant 0 : i32
      %select_n3A_592 = arith.select %gt3A_559, %clamp3A_590, %select_n3A_591 : i32
      %while3A_593 = arith.constant 0 : i32
      %while3A_594 = arith.constant 0 : i32
      %while3A_595 = arith.subi %select_n3A_592, %while3A_594 : i32
      %while3A_596 = arith.addi %while3A_594, %while3A_595 : i32
      %while3A_597 = arith.constant 1 : i32
      %while3A_598 = arith.divsi %while3A_595, %while3A_597 : i32
      %while3A_599 = arith.muli %while3A_598, %while3A_597 : i32
      %while3A_600 = arith.addi %while3A_594, %while3A_599 : i32
      %while3A_601 = arith.constant 1 : i32
      scf.for %while3A_794 = %while3A_594 to %while3A_600 step %while3A_601  : i32 {
        %mul3A_795 = arith.constant 16 : i32
        %mul3A_796 = arith.muli %while3A_794, %mul3A_795 : i32
        %add3A_797 = arith.addi %multiple_of3A_557, %mul3A_796 : i32
        %add3A_798 = vector.broadcast %add3A_797 : i32 to vector<16xi32>
        %add3A_799 = arith.addi %add3A_798, %iota3A : vector<16xi32>
        %mul3A_800 = arith.constant 10240 : i32
        %mul3A_801 = arith.muli %rem3A_400, %mul3A_800 : i32
        %add3A_802 = arith.constant 2048 : i32
        %add3A_803 = arith.addi %mul3A_801, %add3A_802 : i32
        %mul3A_804 = arith.constant 16 : i32
        %mul3A_805 = arith.muli %while3A_794, %mul3A_804 : i32
        %add3A_806 = arith.addi %add3A_803, %mul3A_805 : i32
        %get3A_807 = arith.index_cast %add3A_806 : i32 to index
        %get3A_808 = tpu.vector_load %arg8[%get3A_807] {strides = array<i32>} : memref<20480xi32, #tpu.memory_space<vmem>>, vector<16xi32>,
        %mul3A_809 = arith.constant 10240 : i32
        %mul3A_810 = arith.muli %rem3A_400, %mul3A_809 : i32
        %add3A_811 = arith.constant 2048 : i32
        %add3A_812 = arith.addi %mul3A_810, %add3A_811 : i32
        %mul3A_813 = arith.constant 16 : i32
        %mul3A_814 = arith.muli %while3A_794, %mul3A_813 : i32
        %add3A_815 = arith.addi %add3A_812, %mul3A_814 : i32
        %get3A_816 = arith.index_cast %add3A_815 : i32 to index
        %get3A_817 = tpu.vector_load %arg9[%get3A_816] {strides = array<i32>} : memref<20480xf32, #tpu.memory_space<vmem>>, vector<16xf32>,
        %ge3A_818 = vector.broadcast %squeeze3A_404 : i32 to vector<16xi32>
        %ge3A_819 = arith.cmpi sge, %add3A_799, %ge3A_818 : vector<16xi32>
        %lt3A_820 = vector.broadcast %squeeze3A_406 : i32 to vector<16xi32>
        %lt3A_821 = arith.cmpi slt, %add3A_799, %lt3A_820 : vector<16xi32>
        %and3A_822 = arith.andi %ge3A_819, %lt3A_821 : vector<16xi1>
        %add3A_823 = vector.broadcast %sub3A_449 : i32 to vector<16xi32>
        %add3A_824 = arith.addi %get3A_808, %add3A_823 : vector<16xi32>
        %shift_right_logical3A = arith.constant 10 : i32
        %shift_right_logical3A_825 = vector.broadcast %shift_right_logical3A : i32 to vector<16xi32>
        %shift_right_logical3A_826 = arith.shrui %add3A_824, %shift_right_logical3A_825 : vector<16xi32>
        %and3A_827 = arith.constant 1023 : i32
        %and3A_828 = vector.broadcast %and3A_827 : i32 to vector<16xi32>
        %and3A_829 = arith.andi %add3A_824, %and3A_828 : vector<16xi32>
        tpu.vector_store_idx %arg7[%shift_right_logical3A_826, %and3A_829], %get3A_817 masked %and3A_822 : memref<32x1024xf32, #tpu.memory_space<vmem>>[vector<16xi32>, vector<16xi32>], vector<16xf32>, vector<16xi1>
      }
      %while3A_602 = arith.constant 1 : i32
      scf.for %while3A_794 = %while3A_600 to %while3A_596 step %while3A_602  : i32 {
        %mul3A_795 = arith.constant 16 : i32
        %mul3A_796 = arith.muli %while3A_794, %mul3A_795 : i32
        %add3A_797 = arith.addi %multiple_of3A_557, %mul3A_796 : i32
        %add3A_798 = vector.broadcast %add3A_797 : i32 to vector<16xi32>
        %add3A_799 = arith.addi %add3A_798, %iota3A : vector<16xi32>
        %mul3A_800 = arith.constant 10240 : i32
        %mul3A_801 = arith.muli %rem3A_400, %mul3A_800 : i32
        %add3A_802 = arith.constant 2048 : i32
        %add3A_803 = arith.addi %mul3A_801, %add3A_802 : i32
        %mul3A_804 = arith.constant 16 : i32
        %mul3A_805 = arith.muli %while3A_794, %mul3A_804 : i32
        %add3A_806 = arith.addi %add3A_803, %mul3A_805 : i32
        %get3A_807 = arith.index_cast %add3A_806 : i32 to index
        %get3A_808 = tpu.vector_load %arg8[%get3A_807] {strides = array<i32>} : memref<20480xi32, #tpu.memory_space<vmem>>, vector<16xi32>,
        %mul3A_809 = arith.constant 10240 : i32
        %mul3A_810 = arith.muli %rem3A_400, %mul3A_809 : i32
        %add3A_811 = arith.constant 2048 : i32
        %add3A_812 = arith.addi %mul3A_810, %add3A_811 : i32
        %mul3A_813 = arith.constant 16 : i32
        %mul3A_814 = arith.muli %while3A_794, %mul3A_813 : i32
        %add3A_815 = arith.addi %add3A_812, %mul3A_814 : i32
        %get3A_816 = arith.index_cast %add3A_815 : i32 to index
        %get3A_817 = tpu.vector_load %arg9[%get3A_816] {strides = array<i32>} : memref<20480xf32, #tpu.memory_space<vmem>>, vector<16xf32>,
        %ge3A_818 = vector.broadcast %squeeze3A_404 : i32 to vector<16xi32>
        %ge3A_819 = arith.cmpi sge, %add3A_799, %ge3A_818 : vector<16xi32>
        %lt3A_820 = vector.broadcast %squeeze3A_406 : i32 to vector<16xi32>
        %lt3A_821 = arith.cmpi slt, %add3A_799, %lt3A_820 : vector<16xi32>
        %and3A_822 = arith.andi %ge3A_819, %lt3A_821 : vector<16xi1>
        %add3A_823 = vector.broadcast %sub3A_449 : i32 to vector<16xi32>
        %add3A_824 = arith.addi %get3A_808, %add3A_823 : vector<16xi32>
        %shift_right_logical3A = arith.constant 10 : i32
        %shift_right_logical3A_825 = vector.broadcast %shift_right_logical3A : i32 to vector<16xi32>
        %shift_right_logical3A_826 = arith.shrui %add3A_824, %shift_right_logical3A_825 : vector<16xi32>
        %and3A_827 = arith.constant 1023 : i32
        %and3A_828 = vector.broadcast %and3A_827 : i32 to vector<16xi32>
        %and3A_829 = arith.andi %add3A_824, %and3A_828 : vector<16xi32>
        tpu.vector_store_idx %arg7[%shift_right_logical3A_826, %and3A_829], %get3A_817 masked %and3A_822 : memref<32x1024xf32, #tpu.memory_space<vmem>>[vector<16xi32>, vector<16xi32>], vector<16xf32>, vector<16xi1>
      }
      %add3A_603 = arith.constant 4096 : i32
      %add3A_604 = arith.addi %and3A_410, %add3A_603 : i32
      %min3A_605 = arith.constant 4192256 : i32
      %min3A_606 = arith.minsi %add3A_604, %min3A_605 : i32
      %multiple_of3A_607 = tpu.assume_multiple %min3A_606, 8 : i32
      %gt3A_608 = arith.constant 2 : i32
      %gt3A_609 = arith.cmpi sgt, %max3A_441, %gt3A_608 : i32
      %sub3A_610 = arith.subi %squeeze3A_406, %multiple_of3A_607 : i32
      %add3A_611 = arith.constant 15 : i32
      %add3A_612 = arith.addi %sub3A_610, %add3A_611 : i32
      %jit3A_613 = arith.constant 16 : i32
      %div3A_614 = arith.divsi %add3A_612, %jit3A_613 : i32
      %sign3A_615 = arith.constant 0 : i32
      %sign3A_616 = arith.cmpi sgt, %add3A_612, %sign3A_615 : i32
      %sign3A_617 = arith.extui %sign3A_616 : i1 to i32
      %sign3A_618 = arith.constant 0 : i32
      %sign3A_619 = arith.cmpi slt, %add3A_612, %sign3A_618 : i32
      %sign3A_620 = arith.extui %sign3A_619 : i1 to i32
      %sign3A_621 = arith.subi %sign3A_617, %sign3A_620 : i32
      %sign3A_622 = arith.constant 0 : i32
      %sign3A_623 = arith.cmpi sgt, %jit3A_613, %sign3A_622 : i32
      %sign3A_624 = arith.extui %sign3A_623 : i1 to i32
      %sign3A_625 = arith.constant 0 : i32
      %sign3A_626 = arith.cmpi slt, %jit3A_613, %sign3A_625 : i32
      %sign3A_627 = arith.extui %sign3A_626 : i1 to i32
      %sign3A_628 = arith.subi %sign3A_624, %sign3A_627 : i32
      %ne3A_629 = arith.cmpi ne, %sign3A_621, %sign3A_628 : i32
      %rem3A_630 = arith.remsi %add3A_612, %jit3A_613 : i32
      %ne3A_631 = arith.constant 0 : i32
      %ne3A_632 = arith.cmpi ne, %rem3A_630, %ne3A_631 : i32
      %and3A_633 = arith.andi %ne3A_629, %ne3A_632 : i1
      %sub3A_634 = arith.constant 1 : i32
      %sub3A_635 = arith.subi %div3A_614, %sub3A_634 : i32
      %select_n3A_636 = arith.select %and3A_633, %sub3A_635, %div3A_614 : i32
      %clamp3A_637 = arith.constant 0 : i32
      %clamp3A_638 = arith.constant 128 : i32
      %clamp3A_639 = arith.maxsi %select_n3A_636, %clamp3A_637 : i32
      %clamp3A_640 = arith.minsi %clamp3A_639, %clamp3A_638 : i32
      %select_n3A_641 = arith.constant 0 : i32
      %select_n3A_642 = arith.select %gt3A_609, %clamp3A_640, %select_n3A_641 : i32
      %while3A_643 = arith.constant 0 : i32
      %while3A_644 = arith.constant 0 : i32
      %while3A_645 = arith.subi %select_n3A_642, %while3A_644 : i32
      %while3A_646 = arith.addi %while3A_644, %while3A_645 : i32
      %while3A_647 = arith.constant 1 : i32
      %while3A_648 = arith.divsi %while3A_645, %while3A_647 : i32
      %while3A_649 = arith.muli %while3A_648, %while3A_647 : i32
      %while3A_650 = arith.addi %while3A_644, %while3A_649 : i32
      %while3A_651 = arith.constant 1 : i32
      scf.for %while3A_794 = %while3A_644 to %while3A_650 step %while3A_651  : i32 {
        %mul3A_795 = arith.constant 16 : i32
        %mul3A_796 = arith.muli %while3A_794, %mul3A_795 : i32
        %add3A_797 = arith.addi %multiple_of3A_607, %mul3A_796 : i32
        %add3A_798 = vector.broadcast %add3A_797 : i32 to vector<16xi32>
        %add3A_799 = arith.addi %add3A_798, %iota3A : vector<16xi32>
        %mul3A_800 = arith.constant 10240 : i32
        %mul3A_801 = arith.muli %rem3A_400, %mul3A_800 : i32
        %add3A_802 = arith.constant 4096 : i32
        %add3A_803 = arith.addi %mul3A_801, %add3A_802 : i32
        %mul3A_804 = arith.constant 16 : i32
        %mul3A_805 = arith.muli %while3A_794, %mul3A_804 : i32
        %add3A_806 = arith.addi %add3A_803, %mul3A_805 : i32
        %get3A_807 = arith.index_cast %add3A_806 : i32 to index
        %get3A_808 = tpu.vector_load %arg8[%get3A_807] {strides = array<i32>} : memref<20480xi32, #tpu.memory_space<vmem>>, vector<16xi32>,
        %mul3A_809 = arith.constant 10240 : i32
        %mul3A_810 = arith.muli %rem3A_400, %mul3A_809 : i32
        %add3A_811 = arith.constant 4096 : i32
        %add3A_812 = arith.addi %mul3A_810, %add3A_811 : i32
        %mul3A_813 = arith.constant 16 : i32
        %mul3A_814 = arith.muli %while3A_794, %mul3A_813 : i32
        %add3A_815 = arith.addi %add3A_812, %mul3A_814 : i32
        %get3A_816 = arith.index_cast %add3A_815 : i32 to index
        %get3A_817 = tpu.vector_load %arg9[%get3A_816] {strides = array<i32>} : memref<20480xf32, #tpu.memory_space<vmem>>, vector<16xf32>,
        %ge3A_818 = vector.broadcast %squeeze3A_404 : i32 to vector<16xi32>
        %ge3A_819 = arith.cmpi sge, %add3A_799, %ge3A_818 : vector<16xi32>
        %lt3A_820 = vector.broadcast %squeeze3A_406 : i32 to vector<16xi32>
        %lt3A_821 = arith.cmpi slt, %add3A_799, %lt3A_820 : vector<16xi32>
        %and3A_822 = arith.andi %ge3A_819, %lt3A_821 : vector<16xi1>
        %add3A_823 = vector.broadcast %sub3A_449 : i32 to vector<16xi32>
        %add3A_824 = arith.addi %get3A_808, %add3A_823 : vector<16xi32>
        %shift_right_logical3A = arith.constant 10 : i32
        %shift_right_logical3A_825 = vector.broadcast %shift_right_logical3A : i32 to vector<16xi32>
        %shift_right_logical3A_826 = arith.shrui %add3A_824, %shift_right_logical3A_825 : vector<16xi32>
        %and3A_827 = arith.constant 1023 : i32
        %and3A_828 = vector.broadcast %and3A_827 : i32 to vector<16xi32>
        %and3A_829 = arith.andi %add3A_824, %and3A_828 : vector<16xi32>
        tpu.vector_store_idx %arg7[%shift_right_logical3A_826, %and3A_829], %get3A_817 masked %and3A_822 : memref<32x1024xf32, #tpu.memory_space<vmem>>[vector<16xi32>, vector<16xi32>], vector<16xf32>, vector<16xi1>
      }
      %while3A_652 = arith.constant 1 : i32
      scf.for %while3A_794 = %while3A_650 to %while3A_646 step %while3A_652  : i32 {
        %mul3A_795 = arith.constant 16 : i32
        %mul3A_796 = arith.muli %while3A_794, %mul3A_795 : i32
        %add3A_797 = arith.addi %multiple_of3A_607, %mul3A_796 : i32
        %add3A_798 = vector.broadcast %add3A_797 : i32 to vector<16xi32>
        %add3A_799 = arith.addi %add3A_798, %iota3A : vector<16xi32>
        %mul3A_800 = arith.constant 10240 : i32
        %mul3A_801 = arith.muli %rem3A_400, %mul3A_800 : i32
        %add3A_802 = arith.constant 4096 : i32
        %add3A_803 = arith.addi %mul3A_801, %add3A_802 : i32
        %mul3A_804 = arith.constant 16 : i32
        %mul3A_805 = arith.muli %while3A_794, %mul3A_804 : i32
        %add3A_806 = arith.addi %add3A_803, %mul3A_805 : i32
        %get3A_807 = arith.index_cast %add3A_806 : i32 to index
        %get3A_808 = tpu.vector_load %arg8[%get3A_807] {strides = array<i32>} : memref<20480xi32, #tpu.memory_space<vmem>>, vector<16xi32>,
        %mul3A_809 = arith.constant 10240 : i32
        %mul3A_810 = arith.muli %rem3A_400, %mul3A_809 : i32
        %add3A_811 = arith.constant 4096 : i32
        %add3A_812 = arith.addi %mul3A_810, %add3A_811 : i32
        %mul3A_813 = arith.constant 16 : i32
        %mul3A_814 = arith.muli %while3A_794, %mul3A_813 : i32
        %add3A_815 = arith.addi %add3A_812, %mul3A_814 : i32
        %get3A_816 = arith.index_cast %add3A_815 : i32 to index
        %get3A_817 = tpu.vector_load %arg9[%get3A_816] {strides = array<i32>} : memref<20480xf32, #tpu.memory_space<vmem>>, vector<16xf32>,
        %ge3A_818 = vector.broadcast %squeeze3A_404 : i32 to vector<16xi32>
        %ge3A_819 = arith.cmpi sge, %add3A_799, %ge3A_818 : vector<16xi32>
        %lt3A_820 = vector.broadcast %squeeze3A_406 : i32 to vector<16xi32>
        %lt3A_821 = arith.cmpi slt, %add3A_799, %lt3A_820 : vector<16xi32>
        %and3A_822 = arith.andi %ge3A_819, %lt3A_821 : vector<16xi1>
        %add3A_823 = vector.broadcast %sub3A_449 : i32 to vector<16xi32>
        %add3A_824 = arith.addi %get3A_808, %add3A_823 : vector<16xi32>
        %shift_right_logical3A = arith.constant 10 : i32
        %shift_right_logical3A_825 = vector.broadcast %shift_right_logical3A : i32 to vector<16xi32>
        %shift_right_logical3A_826 = arith.shrui %add3A_824, %shift_right_logical3A_825 : vector<16xi32>
        %and3A_827 = arith.constant 1023 : i32
        %and3A_828 = vector.broadcast %and3A_827 : i32 to vector<16xi32>
        %and3A_829 = arith.andi %add3A_824, %and3A_828 : vector<16xi32>
        tpu.vector_store_idx %arg7[%shift_right_logical3A_826, %and3A_829], %get3A_817 masked %and3A_822 : memref<32x1024xf32, #tpu.memory_space<vmem>>[vector<16xi32>, vector<16xi32>], vector<16xf32>, vector<16xi1>
      }
      %add3A_653 = arith.constant 6144 : i32
      %add3A_654 = arith.addi %and3A_410, %add3A_653 : i32
      %min3A_655 = arith.constant 4192256 : i32
      %min3A_656 = arith.minsi %add3A_654, %min3A_655 : i32
      %multiple_of3A_657 = tpu.assume_multiple %min3A_656, 8 : i32
      %gt3A_658 = arith.constant 3 : i32
      %gt3A_659 = arith.cmpi sgt, %max3A_441, %gt3A_658 : i32
      %sub3A_660 = arith.subi %squeeze3A_406, %multiple_of3A_657 : i32
      %add3A_661 = arith.constant 15 : i32
      %add3A_662 = arith.addi %sub3A_660, %add3A_661 : i32
      %jit3A_663 = arith.constant 16 : i32
      %div3A_664 = arith.divsi %add3A_662, %jit3A_663 : i32
      %sign3A_665 = arith.constant 0 : i32
      %sign3A_666 = arith.cmpi sgt, %add3A_662, %sign3A_665 : i32
      %sign3A_667 = arith.extui %sign3A_666 : i1 to i32
      %sign3A_668 = arith.constant 0 : i32
      %sign3A_669 = arith.cmpi slt, %add3A_662, %sign3A_668 : i32
      %sign3A_670 = arith.extui %sign3A_669 : i1 to i32
      %sign3A_671 = arith.subi %sign3A_667, %sign3A_670 : i32
      %sign3A_672 = arith.constant 0 : i32
      %sign3A_673 = arith.cmpi sgt, %jit3A_663, %sign3A_672 : i32
      %sign3A_674 = arith.extui %sign3A_673 : i1 to i32
      %sign3A_675 = arith.constant 0 : i32
      %sign3A_676 = arith.cmpi slt, %jit3A_663, %sign3A_675 : i32
      %sign3A_677 = arith.extui %sign3A_676 : i1 to i32
      %sign3A_678 = arith.subi %sign3A_674, %sign3A_677 : i32
      %ne3A_679 = arith.cmpi ne, %sign3A_671, %sign3A_678 : i32
      %rem3A_680 = arith.remsi %add3A_662, %jit3A_663 : i32
      %ne3A_681 = arith.constant 0 : i32
      %ne3A_682 = arith.cmpi ne, %rem3A_680, %ne3A_681 : i32
      %and3A_683 = arith.andi %ne3A_679, %ne3A_682 : i1
      %sub3A_684 = arith.constant 1 : i32
      %sub3A_685 = arith.subi %div3A_664, %sub3A_684 : i32
      %select_n3A_686 = arith.select %and3A_683, %sub3A_685, %div3A_664 : i32
      %clamp3A_687 = arith.constant 0 : i32
      %clamp3A_688 = arith.constant 128 : i32
      %clamp3A_689 = arith.maxsi %select_n3A_686, %clamp3A_687 : i32
      %clamp3A_690 = arith.minsi %clamp3A_689, %clamp3A_688 : i32
      %select_n3A_691 = arith.constant 0 : i32
      %select_n3A_692 = arith.select %gt3A_659, %clamp3A_690, %select_n3A_691 : i32
      %while3A_693 = arith.constant 0 : i32
      %while3A_694 = arith.constant 0 : i32
      %while3A_695 = arith.subi %select_n3A_692, %while3A_694 : i32
      %while3A_696 = arith.addi %while3A_694, %while3A_695 : i32
      %while3A_697 = arith.constant 1 : i32
      %while3A_698 = arith.divsi %while3A_695, %while3A_697 : i32
      %while3A_699 = arith.muli %while3A_698, %while3A_697 : i32
      %while3A_700 = arith.addi %while3A_694, %while3A_699 : i32
      %while3A_701 = arith.constant 1 : i32
      scf.for %while3A_794 = %while3A_694 to %while3A_700 step %while3A_701  : i32 {
        %mul3A_795 = arith.constant 16 : i32
        %mul3A_796 = arith.muli %while3A_794, %mul3A_795 : i32
        %add3A_797 = arith.addi %multiple_of3A_657, %mul3A_796 : i32
        %add3A_798 = vector.broadcast %add3A_797 : i32 to vector<16xi32>
        %add3A_799 = arith.addi %add3A_798, %iota3A : vector<16xi32>
        %mul3A_800 = arith.constant 10240 : i32
        %mul3A_801 = arith.muli %rem3A_400, %mul3A_800 : i32
        %add3A_802 = arith.constant 6144 : i32
        %add3A_803 = arith.addi %mul3A_801, %add3A_802 : i32
        %mul3A_804 = arith.constant 16 : i32
        %mul3A_805 = arith.muli %while3A_794, %mul3A_804 : i32
        %add3A_806 = arith.addi %add3A_803, %mul3A_805 : i32
        %get3A_807 = arith.index_cast %add3A_806 : i32 to index
        %get3A_808 = tpu.vector_load %arg8[%get3A_807] {strides = array<i32>} : memref<20480xi32, #tpu.memory_space<vmem>>, vector<16xi32>,
        %mul3A_809 = arith.constant 10240 : i32
        %mul3A_810 = arith.muli %rem3A_400, %mul3A_809 : i32
        %add3A_811 = arith.constant 6144 : i32
        %add3A_812 = arith.addi %mul3A_810, %add3A_811 : i32
        %mul3A_813 = arith.constant 16 : i32
        %mul3A_814 = arith.muli %while3A_794, %mul3A_813 : i32
        %add3A_815 = arith.addi %add3A_812, %mul3A_814 : i32
        %get3A_816 = arith.index_cast %add3A_815 : i32 to index
        %get3A_817 = tpu.vector_load %arg9[%get3A_816] {strides = array<i32>} : memref<20480xf32, #tpu.memory_space<vmem>>, vector<16xf32>,
        %ge3A_818 = vector.broadcast %squeeze3A_404 : i32 to vector<16xi32>
        %ge3A_819 = arith.cmpi sge, %add3A_799, %ge3A_818 : vector<16xi32>
        %lt3A_820 = vector.broadcast %squeeze3A_406 : i32 to vector<16xi32>
        %lt3A_821 = arith.cmpi slt, %add3A_799, %lt3A_820 : vector<16xi32>
        %and3A_822 = arith.andi %ge3A_819, %lt3A_821 : vector<16xi1>
        %add3A_823 = vector.broadcast %sub3A_449 : i32 to vector<16xi32>
        %add3A_824 = arith.addi %get3A_808, %add3A_823 : vector<16xi32>
        %shift_right_logical3A = arith.constant 10 : i32
        %shift_right_logical3A_825 = vector.broadcast %shift_right_logical3A : i32 to vector<16xi32>
        %shift_right_logical3A_826 = arith.shrui %add3A_824, %shift_right_logical3A_825 : vector<16xi32>
        %and3A_827 = arith.constant 1023 : i32
        %and3A_828 = vector.broadcast %and3A_827 : i32 to vector<16xi32>
        %and3A_829 = arith.andi %add3A_824, %and3A_828 : vector<16xi32>
        tpu.vector_store_idx %arg7[%shift_right_logical3A_826, %and3A_829], %get3A_817 masked %and3A_822 : memref<32x1024xf32, #tpu.memory_space<vmem>>[vector<16xi32>, vector<16xi32>], vector<16xf32>, vector<16xi1>
      }
      %while3A_702 = arith.constant 1 : i32
      scf.for %while3A_794 = %while3A_700 to %while3A_696 step %while3A_702  : i32 {
        %mul3A_795 = arith.constant 16 : i32
        %mul3A_796 = arith.muli %while3A_794, %mul3A_795 : i32
        %add3A_797 = arith.addi %multiple_of3A_657, %mul3A_796 : i32
        %add3A_798 = vector.broadcast %add3A_797 : i32 to vector<16xi32>
        %add3A_799 = arith.addi %add3A_798, %iota3A : vector<16xi32>
        %mul3A_800 = arith.constant 10240 : i32
        %mul3A_801 = arith.muli %rem3A_400, %mul3A_800 : i32
        %add3A_802 = arith.constant 6144 : i32
        %add3A_803 = arith.addi %mul3A_801, %add3A_802 : i32
        %mul3A_804 = arith.constant 16 : i32
        %mul3A_805 = arith.muli %while3A_794, %mul3A_804 : i32
        %add3A_806 = arith.addi %add3A_803, %mul3A_805 : i32
        %get3A_807 = arith.index_cast %add3A_806 : i32 to index
        %get3A_808 = tpu.vector_load %arg8[%get3A_807] {strides = array<i32>} : memref<20480xi32, #tpu.memory_space<vmem>>, vector<16xi32>,
        %mul3A_809 = arith.constant 10240 : i32
        %mul3A_810 = arith.muli %rem3A_400, %mul3A_809 : i32
        %add3A_811 = arith.constant 6144 : i32
        %add3A_812 = arith.addi %mul3A_810, %add3A_811 : i32
        %mul3A_813 = arith.constant 16 : i32
        %mul3A_814 = arith.muli %while3A_794, %mul3A_813 : i32
        %add3A_815 = arith.addi %add3A_812, %mul3A_814 : i32
        %get3A_816 = arith.index_cast %add3A_815 : i32 to index
        %get3A_817 = tpu.vector_load %arg9[%get3A_816] {strides = array<i32>} : memref<20480xf32, #tpu.memory_space<vmem>>, vector<16xf32>,
        %ge3A_818 = vector.broadcast %squeeze3A_404 : i32 to vector<16xi32>
        %ge3A_819 = arith.cmpi sge, %add3A_799, %ge3A_818 : vector<16xi32>
        %lt3A_820 = vector.broadcast %squeeze3A_406 : i32 to vector<16xi32>
        %lt3A_821 = arith.cmpi slt, %add3A_799, %lt3A_820 : vector<16xi32>
        %and3A_822 = arith.andi %ge3A_819, %lt3A_821 : vector<16xi1>
        %add3A_823 = vector.broadcast %sub3A_449 : i32 to vector<16xi32>
        %add3A_824 = arith.addi %get3A_808, %add3A_823 : vector<16xi32>
        %shift_right_logical3A = arith.constant 10 : i32
        %shift_right_logical3A_825 = vector.broadcast %shift_right_logical3A : i32 to vector<16xi32>
        %shift_right_logical3A_826 = arith.shrui %add3A_824, %shift_right_logical3A_825 : vector<16xi32>
        %and3A_827 = arith.constant 1023 : i32
        %and3A_828 = vector.broadcast %and3A_827 : i32 to vector<16xi32>
        %and3A_829 = arith.andi %add3A_824, %and3A_828 : vector<16xi32>
        tpu.vector_store_idx %arg7[%shift_right_logical3A_826, %and3A_829], %get3A_817 masked %and3A_822 : memref<32x1024xf32, #tpu.memory_space<vmem>>[vector<16xi32>, vector<16xi32>], vector<16xf32>, vector<16xi1>
      }
      %add3A_703 = arith.constant 8192 : i32
      %add3A_704 = arith.addi %and3A_410, %add3A_703 : i32
      %min3A_705 = arith.constant 4192256 : i32
      %min3A_706 = arith.minsi %add3A_704, %min3A_705 : i32
      %multiple_of3A_707 = tpu.assume_multiple %min3A_706, 8 : i32
      %gt3A_708 = arith.constant 4 : i32
      %gt3A_709 = arith.cmpi sgt, %max3A_441, %gt3A_708 : i32
      %sub3A_710 = arith.subi %squeeze3A_406, %multiple_of3A_707 : i32
      %add3A_711 = arith.constant 15 : i32
      %add3A_712 = arith.addi %sub3A_710, %add3A_711 : i32
      %jit3A_713 = arith.constant 16 : i32
      %div3A_714 = arith.divsi %add3A_712, %jit3A_713 : i32
      %sign3A_715 = arith.constant 0 : i32
      %sign3A_716 = arith.cmpi sgt, %add3A_712, %sign3A_715 : i32
      %sign3A_717 = arith.extui %sign3A_716 : i1 to i32
      %sign3A_718 = arith.constant 0 : i32
      %sign3A_719 = arith.cmpi slt, %add3A_712, %sign3A_718 : i32
      %sign3A_720 = arith.extui %sign3A_719 : i1 to i32
      %sign3A_721 = arith.subi %sign3A_717, %sign3A_720 : i32
      %sign3A_722 = arith.constant 0 : i32
      %sign3A_723 = arith.cmpi sgt, %jit3A_713, %sign3A_722 : i32
      %sign3A_724 = arith.extui %sign3A_723 : i1 to i32
      %sign3A_725 = arith.constant 0 : i32
      %sign3A_726 = arith.cmpi slt, %jit3A_713, %sign3A_725 : i32
      %sign3A_727 = arith.extui %sign3A_726 : i1 to i32
      %sign3A_728 = arith.subi %sign3A_724, %sign3A_727 : i32
      %ne3A_729 = arith.cmpi ne, %sign3A_721, %sign3A_728 : i32
      %rem3A_730 = arith.remsi %add3A_712, %jit3A_713 : i32
      %ne3A_731 = arith.constant 0 : i32
      %ne3A_732 = arith.cmpi ne, %rem3A_730, %ne3A_731 : i32
      %and3A_733 = arith.andi %ne3A_729, %ne3A_732 : i1
      %sub3A_734 = arith.constant 1 : i32
      %sub3A_735 = arith.subi %div3A_714, %sub3A_734 : i32
      %select_n3A_736 = arith.select %and3A_733, %sub3A_735, %div3A_714 : i32
      %clamp3A_737 = arith.constant 0 : i32
      %clamp3A_738 = arith.constant 128 : i32
      %clamp3A_739 = arith.maxsi %select_n3A_736, %clamp3A_737 : i32
      %clamp3A_740 = arith.minsi %clamp3A_739, %clamp3A_738 : i32
      %select_n3A_741 = arith.constant 0 : i32
      %select_n3A_742 = arith.select %gt3A_709, %clamp3A_740, %select_n3A_741 : i32
      %while3A_743 = arith.constant 0 : i32
      %while3A_744 = arith.constant 0 : i32
      %while3A_745 = arith.subi %select_n3A_742, %while3A_744 : i32
      %while3A_746 = arith.addi %while3A_744, %while3A_745 : i32
      %while3A_747 = arith.constant 1 : i32
      %while3A_748 = arith.divsi %while3A_745, %while3A_747 : i32
      %while3A_749 = arith.muli %while3A_748, %while3A_747 : i32
      %while3A_750 = arith.addi %while3A_744, %while3A_749 : i32
      %while3A_751 = arith.constant 1 : i32
      scf.for %while3A_794 = %while3A_744 to %while3A_750 step %while3A_751  : i32 {
        %mul3A_795 = arith.constant 16 : i32
        %mul3A_796 = arith.muli %while3A_794, %mul3A_795 : i32
        %add3A_797 = arith.addi %multiple_of3A_707, %mul3A_796 : i32
        %add3A_798 = vector.broadcast %add3A_797 : i32 to vector<16xi32>
        %add3A_799 = arith.addi %add3A_798, %iota3A : vector<16xi32>
        %mul3A_800 = arith.constant 10240 : i32
        %mul3A_801 = arith.muli %rem3A_400, %mul3A_800 : i32
        %add3A_802 = arith.constant 8192 : i32
        %add3A_803 = arith.addi %mul3A_801, %add3A_802 : i32
        %mul3A_804 = arith.constant 16 : i32
        %mul3A_805 = arith.muli %while3A_794, %mul3A_804 : i32
        %add3A_806 = arith.addi %add3A_803, %mul3A_805 : i32
        %get3A_807 = arith.index_cast %add3A_806 : i32 to index
        %get3A_808 = tpu.vector_load %arg8[%get3A_807] {strides = array<i32>} : memref<20480xi32, #tpu.memory_space<vmem>>, vector<16xi32>,
        %mul3A_809 = arith.constant 10240 : i32
        %mul3A_810 = arith.muli %rem3A_400, %mul3A_809 : i32
        %add3A_811 = arith.constant 8192 : i32
        %add3A_812 = arith.addi %mul3A_810, %add3A_811 : i32
        %mul3A_813 = arith.constant 16 : i32
        %mul3A_814 = arith.muli %while3A_794, %mul3A_813 : i32
        %add3A_815 = arith.addi %add3A_812, %mul3A_814 : i32
        %get3A_816 = arith.index_cast %add3A_815 : i32 to index
        %get3A_817 = tpu.vector_load %arg9[%get3A_816] {strides = array<i32>} : memref<20480xf32, #tpu.memory_space<vmem>>, vector<16xf32>,
        %ge3A_818 = vector.broadcast %squeeze3A_404 : i32 to vector<16xi32>
        %ge3A_819 = arith.cmpi sge, %add3A_799, %ge3A_818 : vector<16xi32>
        %lt3A_820 = vector.broadcast %squeeze3A_406 : i32 to vector<16xi32>
        %lt3A_821 = arith.cmpi slt, %add3A_799, %lt3A_820 : vector<16xi32>
        %and3A_822 = arith.andi %ge3A_819, %lt3A_821 : vector<16xi1>
        %add3A_823 = vector.broadcast %sub3A_449 : i32 to vector<16xi32>
        %add3A_824 = arith.addi %get3A_808, %add3A_823 : vector<16xi32>
        %shift_right_logical3A = arith.constant 10 : i32
        %shift_right_logical3A_825 = vector.broadcast %shift_right_logical3A : i32 to vector<16xi32>
        %shift_right_logical3A_826 = arith.shrui %add3A_824, %shift_right_logical3A_825 : vector<16xi32>
        %and3A_827 = arith.constant 1023 : i32
        %and3A_828 = vector.broadcast %and3A_827 : i32 to vector<16xi32>
        %and3A_829 = arith.andi %add3A_824, %and3A_828 : vector<16xi32>
        tpu.vector_store_idx %arg7[%shift_right_logical3A_826, %and3A_829], %get3A_817 masked %and3A_822 : memref<32x1024xf32, #tpu.memory_space<vmem>>[vector<16xi32>, vector<16xi32>], vector<16xf32>, vector<16xi1>
      }
      %while3A_752 = arith.constant 1 : i32
      scf.for %while3A_794 = %while3A_750 to %while3A_746 step %while3A_752  : i32 {
        %mul3A_795 = arith.constant 16 : i32
        %mul3A_796 = arith.muli %while3A_794, %mul3A_795 : i32
        %add3A_797 = arith.addi %multiple_of3A_707, %mul3A_796 : i32
        %add3A_798 = vector.broadcast %add3A_797 : i32 to vector<16xi32>
        %add3A_799 = arith.addi %add3A_798, %iota3A : vector<16xi32>
        %mul3A_800 = arith.constant 10240 : i32
        %mul3A_801 = arith.muli %rem3A_400, %mul3A_800 : i32
        %add3A_802 = arith.constant 8192 : i32
        %add3A_803 = arith.addi %mul3A_801, %add3A_802 : i32
        %mul3A_804 = arith.constant 16 : i32
        %mul3A_805 = arith.muli %while3A_794, %mul3A_804 : i32
        %add3A_806 = arith.addi %add3A_803, %mul3A_805 : i32
        %get3A_807 = arith.index_cast %add3A_806 : i32 to index
        %get3A_808 = tpu.vector_load %arg8[%get3A_807] {strides = array<i32>} : memref<20480xi32, #tpu.memory_space<vmem>>, vector<16xi32>,
        %mul3A_809 = arith.constant 10240 : i32
        %mul3A_810 = arith.muli %rem3A_400, %mul3A_809 : i32
        %add3A_811 = arith.constant 8192 : i32
        %add3A_812 = arith.addi %mul3A_810, %add3A_811 : i32
        %mul3A_813 = arith.constant 16 : i32
        %mul3A_814 = arith.muli %while3A_794, %mul3A_813 : i32
        %add3A_815 = arith.addi %add3A_812, %mul3A_814 : i32
        %get3A_816 = arith.index_cast %add3A_815 : i32 to index
        %get3A_817 = tpu.vector_load %arg9[%get3A_816] {strides = array<i32>} : memref<20480xf32, #tpu.memory_space<vmem>>, vector<16xf32>,
        %ge3A_818 = vector.broadcast %squeeze3A_404 : i32 to vector<16xi32>
        %ge3A_819 = arith.cmpi sge, %add3A_799, %ge3A_818 : vector<16xi32>
        %lt3A_820 = vector.broadcast %squeeze3A_406 : i32 to vector<16xi32>
        %lt3A_821 = arith.cmpi slt, %add3A_799, %lt3A_820 : vector<16xi32>
        %and3A_822 = arith.andi %ge3A_819, %lt3A_821 : vector<16xi1>
        %add3A_823 = vector.broadcast %sub3A_449 : i32 to vector<16xi32>
        %add3A_824 = arith.addi %get3A_808, %add3A_823 : vector<16xi32>
        %shift_right_logical3A = arith.constant 10 : i32
        %shift_right_logical3A_825 = vector.broadcast %shift_right_logical3A : i32 to vector<16xi32>
        %shift_right_logical3A_826 = arith.shrui %add3A_824, %shift_right_logical3A_825 : vector<16xi32>
        %and3A_827 = arith.constant 1023 : i32
        %and3A_828 = vector.broadcast %and3A_827 : i32 to vector<16xi32>
        %and3A_829 = arith.andi %add3A_824, %and3A_828 : vector<16xi32>
        tpu.vector_store_idx %arg7[%shift_right_logical3A_826, %and3A_829], %get3A_817 masked %and3A_822 : memref<32x1024xf32, #tpu.memory_space<vmem>>[vector<16xi32>, vector<16xi32>], vector<16xf32>, vector<16xi1>
      }
      %mul3A_753 = arith.constant 524288 : i32
      %mul3A_754 = arith.muli %add3A, %mul3A_753 : i32
      %mul3A_755 = arith.constant 8192 : i32
      %mul3A_756 = arith.muli %scan3A_396, %mul3A_755 : i32
      %add3A_757 = arith.addi %mul3A_754, %mul3A_756 : i32
      %jit3A_758 = arith.constant 1024 : i32
      %div3A_759 = arith.divsi %add3A_757, %jit3A_758 : i32
      %sign3A_760 = arith.constant 0 : i32
      %sign3A_761 = arith.cmpi sgt, %add3A_757, %sign3A_760 : i32
      %sign3A_762 = arith.extui %sign3A_761 : i1 to i32
      %sign3A_763 = arith.constant 0 : i32
      %sign3A_764 = arith.cmpi slt, %add3A_757, %sign3A_763 : i32
      %sign3A_765 = arith.extui %sign3A_764 : i1 to i32
      %sign3A_766 = arith.subi %sign3A_762, %sign3A_765 : i32
      %sign3A_767 = arith.constant 0 : i32
      %sign3A_768 = arith.cmpi sgt, %jit3A_758, %sign3A_767 : i32
      %sign3A_769 = arith.extui %sign3A_768 : i1 to i32
      %sign3A_770 = arith.constant 0 : i32
      %sign3A_771 = arith.cmpi slt, %jit3A_758, %sign3A_770 : i32
      %sign3A_772 = arith.extui %sign3A_771 : i1 to i32
      %sign3A_773 = arith.subi %sign3A_769, %sign3A_772 : i32
      %ne3A_774 = arith.cmpi ne, %sign3A_766, %sign3A_773 : i32
      %rem3A_775 = arith.remsi %add3A_757, %jit3A_758 : i32
      %ne3A_776 = arith.constant 0 : i32
      %ne3A_777 = arith.cmpi ne, %rem3A_775, %ne3A_776 : i32
      %and3A_778 = arith.andi %ne3A_774, %ne3A_777 : i1
      %sub3A_779 = arith.constant 1 : i32
      %sub3A_780 = arith.subi %div3A_759, %sub3A_779 : i32
      %select_n3A_781 = arith.select %and3A_778, %sub3A_780, %div3A_759 : i32
      %multiple_of3A_782 = tpu.assume_multiple %select_n3A_781, 8 : i32
      %mul3A_783 = arith.constant 8 : i32
      %mul3A_784 = arith.muli %rem3A_398, %mul3A_783 : i32
      %multiple_of3A_785 = tpu.assume_multiple %mul3A_784, 8 : i32
      %dma_start3A_786 = arith.constant 0 : i32
      %dma_start3A_787 = tpu.memref_slice %arg7[%multiple_of3A_785, %dma_start3A_786] : memref<32x1024xf32, #tpu.memory_space<vmem>> -> memref<8x1024xf32, #tpu.memory_space<vmem>>
      %dma_start3A_788 = arith.constant 0 : i32
      %dma_start3A_789 = tpu.memref_slice %arg6[%multiple_of3A_782, %dma_start3A_788] : memref<16384x1024xf32, #tpu.memory_space<hbm>> -> memref<8x1024xf32, #tpu.memory_space<hbm>>
      %dma_start3A_790 = arith.constant 0 : i32
      %dma_start3A_791 = tpu.memref_slice %arg6[%multiple_of3A_782, %dma_start3A_790] : memref<16384x1024xf32, #tpu.memory_space<hbm>> -> memref<8x1024xf32, #tpu.memory_space<hbm>>
      %dma_start3A_792 = arith.constant 0 : i32
      %dma_start3A_793 = tpu.memref_slice %arg7[%multiple_of3A_785, %dma_start3A_792] : memref<32x1024xf32, #tpu.memory_space<vmem>> -> memref<8x1024xf32, #tpu.memory_space<vmem>>
      tpu.enqueue_dma source(%dma_start3A_793 : memref<8x1024xf32, #tpu.memory_space<vmem>>) target(%dma_start3A_791 : memref<8x1024xf32, #tpu.memory_space<hbm>>) target_semaphore(%arg14 : memref<!tpu.dma_semaphore, #tpu.memory_space<semaphore_mem>>)
    }
    %scan3A_372 = arith.constant 64 : i32
    %multiple_of3A_373 = arith.constant 16 : i32
    %multiple_of3A_374 = tpu.assume_multiple %multiple_of3A_373, 8 : i32
    %dma_wait3A = arith.constant 0 : i32
    %dma_wait3A_375 = tpu.memref_slice %arg7[%multiple_of3A_374, %dma_wait3A] : memref<32x1024xf32, #tpu.memory_space<vmem>> -> memref<8x1024xf32, #tpu.memory_space<vmem>>
    %dma_wait3A_376 = arith.constant 0 : i32
    %dma_wait3A_377 = arith.constant 0 : i32
    %dma_wait3A_378 = tpu.memref_slice %arg6[%dma_wait3A_376, %dma_wait3A_377] : memref<16384x1024xf32, #tpu.memory_space<hbm>> -> memref<8x1024xf32, #tpu.memory_space<hbm>>
    %dma_wait3A_379 = arith.constant 0 : i32
    %dma_wait3A_380 = arith.constant 0 : i32
    %dma_wait3A_381 = tpu.memref_slice %arg6[%dma_wait3A_379, %dma_wait3A_380] : memref<16384x1024xf32, #tpu.memory_space<hbm>> -> memref<8x1024xf32, #tpu.memory_space<hbm>>
    %dma_wait3A_382 = arith.constant 0 : i32
    %dma_wait3A_383 = tpu.memref_slice %arg7[%multiple_of3A_374, %dma_wait3A_382] : memref<32x1024xf32, #tpu.memory_space<vmem>> -> memref<8x1024xf32, #tpu.memory_space<vmem>>
    tpu.wait_dma2 semaphore(%arg14 : memref<!tpu.dma_semaphore, #tpu.memory_space<semaphore_mem>>) src(%dma_wait3A_383 : memref<8x1024xf32, #tpu.memory_space<vmem>>) dst(%dma_wait3A_381 : memref<8x1024xf32, #tpu.memory_space<hbm>>)
    %multiple_of3A_384 = arith.constant 24 : i32
    %multiple_of3A_385 = tpu.assume_multiple %multiple_of3A_384, 8 : i32
    %dma_wait3A_386 = arith.constant 0 : i32
    %dma_wait3A_387 = tpu.memref_slice %arg7[%multiple_of3A_385, %dma_wait3A_386] : memref<32x1024xf32, #tpu.memory_space<vmem>> -> memref<8x1024xf32, #tpu.memory_space<vmem>>
    %dma_wait3A_388 = arith.constant 0 : i32
    %dma_wait3A_389 = arith.constant 0 : i32
    %dma_wait3A_390 = tpu.memref_slice %arg6[%dma_wait3A_388, %dma_wait3A_389] : memref<16384x1024xf32, #tpu.memory_space<hbm>> -> memref<8x1024xf32, #tpu.memory_space<hbm>>
    %dma_wait3A_391 = arith.constant 0 : i32
    %dma_wait3A_392 = arith.constant 0 : i32
    %dma_wait3A_393 = tpu.memref_slice %arg6[%dma_wait3A_391, %dma_wait3A_392] : memref<16384x1024xf32, #tpu.memory_space<hbm>> -> memref<8x1024xf32, #tpu.memory_space<hbm>>
    %dma_wait3A_394 = arith.constant 0 : i32
    %dma_wait3A_395 = tpu.memref_slice %arg7[%multiple_of3A_385, %dma_wait3A_394] : memref<32x1024xf32, #tpu.memory_space<vmem>> -> memref<8x1024xf32, #tpu.memory_space<vmem>>
    tpu.wait_dma2 semaphore(%arg14 : memref<!tpu.dma_semaphore, #tpu.memory_space<semaphore_mem>>) src(%dma_wait3A_395 : memref<8x1024xf32, #tpu.memory_space<vmem>>) dst(%dma_wait3A_393 : memref<8x1024xf32, #tpu.memory_space<hbm>>)
    return
  }
}

</mosaic_0001>

<sc_bundles>
// kernel: kernel.3.cloned.1.call-start
scs
__scs_entry_jumppad:
0x0: {  	(pc) =	sbr.rel $0x88, $3  }
0x1: {  	(tag) =	ssettag $0x0;
	lr =	simm.s32 $0x1  }
0x2: {  	[smem:$0x3F9E] =	sst lr;
	_ =	strace $0xD0000000  }
0x3: {  	_ = 	snop  }
0x4: {  	_ = 	snop  }
0x5: {  	_ = 	snop  }
0x6: {  	_ = 	snop  }
0x7: {  	_ = 	snop  }
__scs_overlays_trampoline_lowered:
0x8: {  	[smem:$0x3FAD] =	sst s0  }
0x9: {  	[smem:$0x3FAE] =	sst s1  }
0xa: {  	[smem:$0x3FAF] =	sst s2  }
0xb: {  	[smem:$0x3FB0] =	sst s3  }
0xc: {  	[smem:$0x3FB1] =	sst s4  }
0xd: {  	[smem:$0x3FB2] =	sst s5  }
0xe: {  	[smem:$0x3FB3] =	sst s6  }
0xf: {  	[smem:$0x3FB4] =	sst s7  }
0x10: {  	[smem:$0x3FB5] =	sst s8  }
0x11: {  	[smem:$0x3FB6] =	sst s9;
	s0 =	simm.s32 @!p0 $0x0  }
0x12: {  	s1 =	sld [smem:$0x3F9C];
	s0 =	simm.s32 @p0 $0x1  }
0x13: {  	[smem:$0x3FB7] =	sst s0;
	s0 =	simm.s32 @!p1 $0x0  }
0x14: {  	s2 =	sld [smem:$0x3F9B];
	s0 =	simm.s32 @p1 $0x1  }
0x15: {  	[smem:$0x3FB8] =	sst s0;
	s0 =	simm.s32 @!p2 $0x0  }
0x16: {  	s3 =	sld [smem:$0x3FDB];
	s0 =	simm.s32 @p2 $0x1  }
0x17: {  	s4 =	simm.s32 $0x1BF5;
	[smem:$0x3FBA] =	sst s0  }
0x18: {  	s0 =	sld [smem:$0x3F9D];
	_ =	swait.ge [sflag:s4], $0x0  }
0x19: {  	s7 =	sld [smem:$0x3F9E]  }
0x1a: {  	s8 =	sadd.s32 $0xFFFFE003, lr  }
0x1b: {  	s9 =	sadd.s32 $0xFFFFFEF7, lr;
	s5 =	simm.s32 $0xFFFFFFFF;
	p2 =	slt.u32 s8, $0xFFFFF086  }
0x1c: {  	p1 =	slt.u32 s9, $0xF7A;
	s5 =	simm.s32 @!p2 $0x0  }
0x1d: {  	s5 =	simm.s32 @p1 $0x1;
	p0 =	seq.s32 s7, s2  }
0x1e: {  	s7 =	smul.u32 @!p0 $0xF7A, s2;
	p2 =	seq.s32 @!p0 s5, $0x0  }
0x1f: {  	s9 =	smul.u32 $0xF7A, s1;
	s8 =	simm.s32 @!p0 $0x1BF5;
	p2 =	por !p2, p0  }
0x20: {  	[sflag:s8] =	ssyncset.s32 @!p0 $0xFFFFF086;
	s6 =	sadd.s32 @!p0 s3, s7;
	s7 =	simm.s32 @!p0 $0x108  }
0x21: {  	s3 =	sadd.s32 s3, s9;
	s6 =	sadd.s32 @!p0 $0x88, s6;
	s7 =	simm.s32 @p2 $0x1082  }
0x22: {  	[simem:s7], [sflag:s8] =	dma.local @!p0 [hbm:s6], $0xF7A  }
0x23: {  	s9 =	sor.u32 $0xD0000000, s2;
	s6 =	simm.s32 $0x108;
	_ =	swait.ge @!p0 [sflag:s8], $0x0  }
0x24: {  	s3 =	sadd.s32 $0x88, s3;
	s6 =	simm.s32 @!p1 $0x1082;
	[sflag:s4] =	ssyncset.s32 $0xFFFFF086  }
0x25: {  	[simem:s6], [sflag:s4] =	dma.local [hbm:s3], $0xF7A  }
0x26: {  	[smem:$0x3F9E] =	sst s1;
	(tag) =	ssettag s2;
	_ =	strace s9  }
0x27: {  	s1 =	sld [smem:$0x3FAE]  }
0x28: {  	s2 =	sld [smem:$0x3FAF]  }
0x29: {  	s4 =	sld [smem:$0x3FB1]  }
0x2a: {  	p0 =	seq.s32 s5, $0x0;
	s5 =	sld [smem:$0x3FB2]  }
0x2b: {  	s6 =	sld [smem:$0x3FB3]  }
0x2c: {  	s7 =	sld [smem:$0x3FB4]  }
0x2d: {  	s3 =	simm.s32 $0x108;
	s8 =	sld [smem:$0x3FB5]  }
0x2e: {  	s3 =	simm.s32 @!p0 $0x1082;
	s9 =	sld [smem:$0x3FB6]  }
0x2f: {  	lr =	sadd.s32 s0, s3;
	s0 =	sld [smem:$0x3FAD]  }
0x30: {  	s3 =	sld [smem:$0x3FB0]  }
0x31: {  	[smem:$0x3FB9] =	sst s10  }
0x32: {  	s10 =	sld [smem:$0x3FB7];
	_ =	sdelay $0x3  }
0x33: {  	p0 =	seq.s32 s10, $0x1;
	s10 =	sld [smem:$0x3FB9];
	_ =	sdelay $0x3  }
0x34: {  	[smem:$0x3FB9] =	sst s10  }
0x35: {  	s10 =	sld [smem:$0x3FB8];
	_ =	sdelay $0x3  }
0x36: {  	p1 =	seq.s32 s10, $0x1;
	s10 =	sld [smem:$0x3FB9];
	_ =	sdelay $0x3  }
0x37: {  	[smem:$0x3FB9] =	sst s10  }
0x38: {  	s10 =	sld [smem:$0x3FBA]  }
0x39: {  	_ = 	snop;
	(pc) =	sbr.ind lr, $3  }
0x3a: {  	_ = 	snop  }
0x3b: {  	_ = 	snop  }
0x3c: {  	p2 =	seq.s32 s10, $0x1;
	s10 =	sld [smem:$0x3FB9]  }
0x3d: {  	_ =	shalt  }
0x3e: {  	_ =	shalt  }
0x3f: {  	_ =	shalt  }
0x40: {  	_ =	shalt  }
0x41: {  	_ =	shalt  }
0x42: {  	_ =	shalt  }
0x43: {  	_ =	shalt  }
0x44: {  	_ =	shalt  }
0x45: {  	_ =	shalt  }
0x46: {  	_ =	shalt  }
0x47: {  	_ =	shalt  }
0x48: {  	_ =	shalt  }
0x49: {  	_ =	shalt  }
0x4a: {  	_ =	shalt  }
0x4b: {  	_ =	shalt  }
0x4c: {  	_ =	shalt  }
0x4d: {  	_ =	shalt  }
0x4e: {  	_ =	shalt  }
0x4f: {  	_ =	shalt  }
0x50: {  	_ =	shalt  }
0x51: {  	_ =	shalt  }
0x52: {  	_ =	shalt  }
0x53: {  	_ =	shalt  }
0x54: {  	_ =	shalt  }
0x55: {  	_ =	shalt  }
0x56: {  	_ =	shalt  }
0x57: {  	_ =	shalt  }
0x58: {  	_ =	shalt  }
0x59: {  	_ =	shalt  }
0x5a: {  	_ =	shalt  }
0x5b: {  	_ =	shalt  }
0x5c: {  	_ =	shalt  }
0x5d: {  	_ =	shalt  }
0x5e: {  	_ =	shalt  }
0x5f: {  	_ =	shalt  }
0x60: {  	_ =	shalt  }
0x61: {  	_ =	shalt  }
0x62: {  	_ =	shalt  }
0x63: {  	_ =	shalt  }
0x64: {  	_ =	shalt  }
0x65: {  	_ =	shalt  }
0x66: {  	_ =	shalt  }
0x67: {  	_ =	shalt  }
0x68: {  	_ =	shalt  }
0x69: {  	_ =	shalt  }
0x6a: {  	_ =	shalt  }
0x6b: {  	_ =	shalt  }
0x6c: {  	_ =	shalt  }
0x6d: {  	_ =	shalt  }
0x6e: {  	_ =	shalt  }
0x6f: {  	_ =	shalt  }
0x70: {  	_ =	shalt  }
0x71: {  	_ =	shalt  }
0x72: {  	_ =	shalt  }
0x73: {  	_ =	shalt  }
0x74: {  	_ =	shalt  }
0x75: {  	_ =	shalt  }
0x76: {  	_ =	shalt  }
0x77: {  	_ =	shalt  }
0x78: {  	_ =	shalt  }
0x79: {  	_ =	shalt  }
0x7a: {  	_ =	shalt  }
0x7b: {  	_ =	shalt  }
0x7c: {  	_ =	shalt  }
0x7d: {  	_ =	shalt  }
0x7e: {  	_ =	shalt  }
0x7f: {  	_ =	shalt  }
0x80: {  	_ =	shalt  }
0x81: {  	_ =	shalt  }
0x82: {  	_ =	shalt  }
0x83: {  	_ =	shalt  }
0x84: {  	_ =	shalt  }
0x85: {  	_ =	shalt  }
0x86: {  	_ =	shalt  }
0x87: {  	_ =	shalt  }
.Lfunc_end0:
.L_simem_size_0:
called_computation_lowered:
.L_overlay_start_0:
0x88: {  	s2 =	sld [smem:$0x3FD9]  }
0x89: {  	s3 =	sld [smem:$0x3FFE];
	_ =	sdelay $0x1  }
0x8a: {  	s1 =	srdreg.scid  }
0x8b: {  	s0 =	sand.u32 $0x1, s1  }
0x8c: {  	s17 =	sshll.u32 s0, $0xA;
	s2 =	sadd.s32 s3, s2  }
0x8d: {  	s2 =	sadd.s32 s2, s17  }
0x8e: {  	[smem:$0x3FC5] =	sst s2  }
0x8f: {  	_ = 	snop  }
0x90: {  	s2 =	sld [smem:$0x3FC9]  }
0x91: {  	s18 =	sld [smem:$0x3FC8]  }
0x92: {  	s4 =	sld [smem:$0x3FD0];
	(tm) =	ssettm $0x1  }
0x93: {  	s5 =	sld [smem:$0x3FFB];
	_ =	sdelay $0x3  }
0x94: {  	_ =	strace s5  }
0x95: {  	s5 =	sld [smem:$0x3FFC];
	_ =	sdelay $0x3  }
0x96: {  	_ =	strace s5  }
0x97: {  	s5 =	sld [smem:$0x3FFD];
	_ =	sdelay $0x3  }
0x98: {  	_ =	strace s5  }
0x99: {  	_ =	strace $0x8FFFFFFF  }
0x9a: {  	s19 =	sld [smem:$0x3FDB];
	_ =	sdelay $0x1  }
0x9b: {  	s6 =	simm.s32 $_scs_section_size  }
0x9c: {  	s7 =	simm.s32 $_size__tile_overlayer_lowered;
	s8 =	simm.s32 $_tile_overlayer_lowered  }
0x9d: {  	s22 =	simm.s32 $0x1BFF;
	s21 =	sshll.u32 s8, $0x1;
	s5 =	sadd.s32 s6, s19  }
0x9e: {  	s9 =	simm.s32 $0x0;
	s20 =	sshll.u32 s7, $0x1;
	s7 =	sadd.s32 s21, s5  }
0x9f: {  	[timem:s9], [sflag:s22] =	dma.local [hbm:s7], s20  }
0xa0: {  	_ =	swait.ge [sflag:s22], s20  }
0xa1: {  	s6 =	ssub.s32 $0x0, s20;
	[sflag:s22] =	ssyncset.done $0x0  }
0xa2: {  	[sflag:s22] =	ssyncadd.s32 s6;
	_ =	sdelay $0x1  }
0xa3: {  	s23 =	simm.s32 $0x1B8B  }
0xa4: {  	_ =	swait.ge [sflag:s23], $0x1  }
0xa5: {  	[sflag:s23] =	ssyncset.done $0x0  }
0xa6: {  	s25 =	simm.s32 $0x1B8E;
	s24 =	sld [smem:$0x3FFE];
	[sflag:s23] =	ssyncadd.s32 $0xFFFFFFFF  }
0xa7: {  	s26 =	simm.s32 $execute0_lowered;
	[smem:$0x3FD2] =	sst s25  }
0xa8: {  	s7 =	sshll.u32 s26, $0x1;
	_ =	strace $0x80000046;
	[dreg:$0x1] =	wrdreg $0xFFFFFFFF  }
0xa9: {  	s28 =	simm.s32 $_size_execute0_lowered;
	s5 =	sadd.s32 s5, s7;
	[dreg:$0x0] =	wrdreg $0x0  }
0xaa: {  	s7 =	sshll.u32 s28, $0x1;
	[dreg:$0x2] =	wrdreg s5  }
0xab: {  	[dreg:$0x3] =	wrdreg s7  }
0xac: {  	[dreg:$0x4] =	wrdreg $0xC0  }
0xad: {  	_ =	task [dreg:s9], $0x5FFFF  }
0xae: {  	[dreg:$0x1] =	wrdreg $0xFFFFFFFF  }
0xaf: {  	[dreg:$0x0] =	wrdreg $0x60  }
0xb0: {  	[dreg:$0x2] =	wrdreg s2  }
0xb1: {  	[dreg:$0x3] =	wrdreg s18  }
0xb2: {  	[dreg:$0x4] =	wrdreg s24  }
0xb3: {  	[dreg:$0x5] =	wrdreg s4  }
0xb4: {  	[dreg:$0x6] =	wrdreg $0x9  }
0xb5: {  	_ =	task.clear_ibuf [dreg:s9], $0x7FFFF;
	_ =	strace $0x90000046  }
0xb6: {  	s29 =	simm.s32 $0x9;
	_ =	strace $0x80000048  }
0xb7: {  	_ =	swait.ge [sflag:s29], $0x1  }
0xb8: {  	[sflag:s29] =	ssyncadd.s32 $0xFFFFFFFF  }
0xb9: {  	_ =	strace $0x90000048  }
0xba: {  	_ =	sfence  }
0xbb: {  	s30 =	sld [smem:$0x0];
	_ =	sdelay $0x2  }
0xbc: {  	s31 =	sshll.u32 s1, $0xD;
	s1 =	sshrl.u32 s1, $0x2  }
0xbd: {  	s3 =	sand.u32 $0x4000, s31;
	s1 =	sadd.s32 s1, s30  }
0xbe: {  	s0 =	sor.u32 s3, s0;
	s1 =	sshll.u32 s1, $0x11  }
0xbf: {  	s0 =	sor.u32 s1, s0  }
0xc0: {  	s0 =	sadd.s32 $0x8F2B, s0  }
0xc1: {  	[sflag:s0] =	ssyncadd.remote.s32 $0x1  }
0xc2: {  	_ =	sfence.sel $0xFFFF  }
0xc3: {  	[dreg:$0x0] =	wrdreg $0xFFFFFFFF;
	(pc) =	sbr.abs _section_cstart, $3  }
0xc4: {  	[dreg:$0x1] =	wrdreg $0xFFFFFFFF  }
0xc5: {  	_ =	task.clear_ibuf [dreg:s9], $0x2FFFF;
	_ =	strace $0x9FFFFFFF  }
0xc6: {  	(tm) =	ssettm $0x7FFFFFFF  }
0xc7: {  	_ =	shalt  }
tec
execute0_lowered:
.L_overlay_start_1:
0x0: {  	(tag) =	ssettag $0x1  }
0x1: {  	s1 =	rddreg [dreg:$0x0]  }
0x2: {  	s2 =	rddreg [dreg:$0x1]  }
0x3: {  	s0 =	rddreg [dreg:$0x2]  }
0x4: {  	s4 =	rddreg [dreg:$0x3]  }
0x5: {  	s5 =	simm.s32 $0x0;
	s3 =	srdreg.scid;
	s6 =	stileid.u32  }
0x6: {  	s14 =	simm.s32 $0x4;
	s15 =	simm.s32 $0x1;
	s16 =	simm.s32 $0x2000  }
0x7: {  	s17 =	simm.s32 $0x2;
	s18 =	simm.s32 $0x3;
	s22 =	simm.s32 $0x16080  }
0x8: {  	s23 =	simm.s32 $0x0;
	[smem:$0x7FF] =	sst s5;
	s3 =	sand.u32 $0x1, s3  }
.Ltmp0:
0x9: {  	s6 =	sshll.u32 s6, $0x1;
	s7 =	sadd.s32 $0x800, s0;
	(pc) =	sbr.rel .LBB2_1-.Ltmp0, $4  }
0xa: {  	v0 =	vlaneseq.u32;
	s8 =	sadd.s32 $0x80A00, s0;
	s9 =	ssub.s32 $0x2, s3;
	s6 =	sor.u32 s3, s6  }
0xb: {  	v3 =	vmul.u32 $0xFFFFFFFF, v0;
	_ =	strace $0x80000047;
	s29 =	sshrl.u32 s9, $0x1;
	s10 =	sshll.u32 s6, $0x10  }
0xc: {  	s31 =	sshll.u32 s6, $0x6;
	s30 =	ssub.s32 s9, s29;
	s9 =	sadd.s32 s1, s10  }
0xd: {  	v2 =	vimm.s32 $0x40000000;
	v3 =	vadd.s32 $0xF, v3;
	s10 =	sshll.u32 s6, $0x13;
	v1 =	vmov s31;
	s11 =	sadd.s32 $0x400, s9;
	s12 =	smax.u32 s30, $0x1  }
.LBB2_40:
0xe: {  	s23 =	sadd.s32 $0x1, s23  }
0xf: {  	_ =	swait.ge [sflag:s17], $0x2000;
	p0 =	sne.s32 s23, s12  }
.Ltmp1:
0x10: {  	[sflag:s17] =	ssyncset.done $0x0;
	(pc) =	sbr.rel @!p0 .LBB2_41-.Ltmp1, $4  }
0x11: {  	[sflag:s17] =	ssyncadd.s32 $0xFFFFE000  }
0x12: {  	_ =	swait.ge [sflag:s17], $0x2000  }
0x13: {  	[sflag:s17] =	ssyncset.done $0x0  }
0x14: {  	[sflag:s17] =	ssyncadd.s32 $0xFFFFE000  }
.LBB2_1:
0x15: {  	s0 =	simm.s32 $0x16100  }
0x16: {  	[tilespmem:s0], [sflag:$0x4] =	stream.linear.gather [hbm4b:s8+s5], $0x80, $0x38;
	[tilespmem:$0x16180] =	vst v63  }
0x17: {  	_ =	swait.ge [sflag:s14], $0x80  }
0x18: {  	[sflag:s14] =	ssyncset.done $0x0  }
0x19: {  	[sflag:s14] =	ssyncadd.s32 $0xFFFFFF80  }
0x1a: {  	v5 =	vld [tilespmem:s6+$0x16100];
	_ =	sdelay $0x4  }
0x1b: {  	(v2sf) =	vpush v5, $0x0  }
0x1c: {  	(v2sf) =	vpush v5, $0x1;
	_ =	sdelay $0xd  }
0x1d: {  	s29 =	spop (v2sf)  }
0x1e: {  	s3 =	spop (v2sf);
	s24 =	sand.u32 $0xFFFFFFF8, s29  }
0x1f: {  	s0 =	ssub.s32 s3, s24  }
0x20: {  	s0 =	sadd.s32 $0x1FFF, s0  }
0x21: {  	s30 =	sand.u32 $0x1FFF, s0  }
0x22: {  	s31 =	sshra.s32 s0, $0x1F;
	p1 =	slt.s32 s0, $0x1;
	p0 =	sne.s32 s30, $0x0  }
0x23: {  	s3 =	sshrl.u32 s31, $0x13;
	p0 =	por !p1, !p0  }
0x24: {  	s0 =	sadd.s32 s3, s0;
	s3 =	simm.s32 $0x1;
	p0 =	por !p0, !p0  }
0x25: {  	s0 =	sshra.s32 s0, $0xD;
	s3 =	simm.s32 @!p0 $0x0  }
0x26: {  	s25 =	ssub.s32 s0, s3  }
0x27: {  	p0 =	slt.s32 s25, $0x1  }
.Ltmp2:
0x28: {  	[tilespmem:$0x16080] =	vst v2;
	(pc) =	sbr.rel @p0 .LBB2_7-.Ltmp2, $4  }
0x29: {  	[tilespmem:$0x16090] =	vst v2  }
0x2a: {  	[tilespmem:$0x160A0] =	vst v2;
	v4 =	vbroadcast v5, $0x1  }
0x2b: {  	[tilespmem:$0x160B0] =	vst v2  }
0x2c: {  	[tilespmem:$0x160C0] =	vst v4  }
0x2d: {  	p0 =	slt.s32 s24, $0x3FE000;
	s0 =	smov.u32 s24  }
0x2e: {  	s0 =	simm.s32 @!p0 $0x3FE000  }
0x2f: {  	s26 =	simm.s32 $0x0;
	s3 =	simm.s32 $0x12000;
	s0 =	sshrl.u32 s0, $0x3  }
0x30: {  	s28 =	smov.u32 s24;
	p0 =	por $0x0, $0x0;
	s0 =	sadd.s32 s7, s0  }
0x31: {  	v5 =	vbroadcast v5, $0x0;
	[tilespmem:s3], [sflag:$0x1] =	stream.linear.gather [hbm4b:s0+s26], $0x2008, $0x38;
	[tilespmem:$0x16180] =	vst v63  }
.LBB2_4:
0x32: {  	s0 =	sand.u32 $0x1, s26;
	s26 =	sadd.s32 $0x1, s26  }
0x33: {  	p1 =	sle.s32 s25, s26  }
0x34: {  	s3 =	simm.s32 $0x1;
	s19 =	sshll.u32 @!p1 s26, $0xD  }
0x35: {  	_ =	swait.ge [sflag:s15], $0x2008;
	s3 =	simm.s32 @!p0 $0x0;
	s19 =	sadd.s32 @!p1 s24, s19  }
0x36: {  	s3 =	smul.u32 $0x8020, s3;
	s0 =	sxor.u32 @!p1 $0x1, s0;
	p2 =	slt.s32 @!p1 s19, $0x3FE000  }
0x37: {  	[sflag:s15] =	ssyncset.done $0x0;
	s20 =	smul.u32 @!p1 $0x8020, s0;
	p2 =	por !p2, p1  }
0x38: {  	[sflag:s15] =	ssyncadd.s32 $0xFFFFDFF8;
	s3 =	sshrl.u32 s3, $0x2;
	s19 =	simm.s32 @p2 $0x3FE000  }
0x39: {  	s0 =	sadd.s32 $0x12008, s3;
	s3 =	sshrl.u32 @!p1 s20, $0x2;
	s19 =	sshrl.u32 @!p1 s19, $0x3  }
0x3a: {  	s20 =	simm.s32 @!p1 $0x0;
	s3 =	sadd.s32 @!p1 $0x12000, s3;
	s19 =	sadd.s32 @!p1 s7, s19  }
0x3b: {  	[tilespmem:s3], [sflag:$0x1] =	stream.linear.gather @!p1 [hbm4b:s19+s20], $0x2008, $0x38;
	[tilespmem:$0x16180] =	vst v63  }
0x3c: {  	p1 =	slt.s32 s28, $0x3FE000;
	s3 =	smov.u32 s28;
	v6 =	vld [tilespmem:s0+$0xFFFFFFFF]  }
0x3d: {  	s19 =	simm.s32 $0x10;
	s20 =	simm.s32 $0x0;
	s3 =	simm.s32 @!p1 $0x3FE000;
	v7 =	vld [tilespmem:s0+$0x0]  }
.LBB2_5:
0x3e: {  	p1 =	seq.s32 s19, $0x1FF0;
	_ =	sdelay $0x2  }
0x3f: {  	s29 =	sadd.s32 s20, s3;
	s20 =	smov.u32 s19  }
0x40: {  	v8 =	vadd.s32 s29, v0;
	v6 =	vshra.s32 v6, $0xD;
	v7 =	vshra.s32 v7, $0xD  }
0x41: {  	vm1 =	vge.s32 v8, v5;
	vm0 =	vne.s32 v7, v6  }
0x42: {  	vm0 =	vmand vm1, vm0;
	vm1 =	vlt.s32 v8, v4  }
0x43: {  	vm0 =	vmand vm1, vm0  }
0x44: {  	v6 =	vsub.s32 v7, v1;
	_ =	sdelay $0x2  }
.Ltmp3:
0x45: {  	(pc) =	sbr.rel @!p1 .LBB2_5-.Ltmp3, $4  }
0x46: {  	_ = 	snop  }
0x47: {  	s0 =	sadd.s32 $0x10, s0;
	[tilespmem:v6+s22+$0x0] =	vst.idx.msk vm0, v8  }
0x48: {  	v6 =	vld [tilespmem:s0+$0xFFFFFFFF]  }
0x49: {  	s19 =	sadd.s32 $0x10, s19;
	v7 =	vld [tilespmem:s0+$0x0]  }
0x4a: {  	_ =	sdelay $0x2  }
0x4b: {  	s0 =	sadd.s32 s20, s3  }
0x4c: {  	v8 =	vadd.s32 s0, v0;
	v6 =	vshra.s32 v6, $0xD;
	v7 =	vshra.s32 v7, $0xD  }
0x4d: {  	vm1 =	vge.s32 v8, v5;
	vm0 =	vne.s32 v7, v6  }
0x4e: {  	vm15 =	vlt.s32 v8, v4;
	vm0 =	vmand vm1, vm0  }
0x4f: {  	vm0 =	vmand vm15, vm0  }
0x50: {  	v6 =	vsub.s32 v7, v1;
	_ =	sdelay $0x4  }
0x51: {  	[tilespmem:v6+s22+$0x0] =	vst.idx.msk vm0, v8  }
0x52: {  	p1 =	seq.s32 s26, s25  }
.Ltmp4:
0x53: {  	_ = 	snop;
	(pc) =	sbr.rel @!p1 .LBB2_4-.Ltmp4, $2  }
0x54: {  	_ =	sdelay $0x2  }
0x55: {  	p0 =	por !p0, !p0;
	s28 =	sadd.s32 $0x2000, s28  }
.LBB2_7:
0x56: {  	v4 =	vld [tilespmem:$0x160C0];
	_ =	sdelay $0x3  }
0x57: {  	v5 =	vld [tilespmem:$0x160B0]  }
0x58: {  	v4 =	vsub.s32 $0x0, v4  }
0x59: {  	v4 =	vperm.xlane v4, v3;
	_ =	sdelay $0x1  }
0x5a: {  	v6 =	vld [tilespmem:$0x160A0];
	v4 =	vxor.u32 $0x80000000, v4  }
0x5b: {  	(xrf0) =	vmax.scan.msk.u32 $0xffff, v4;
	v4 =	vsub.s32 $0x0, v5  }
0x5c: {  	v4 =	vperm.xlane v4, v3;
	_ =	sdelay $0x1  }
0x5d: {  	v5 =	vld [tilespmem:$0x16090];
	v4 =	vxor.u32 $0x80000000, v4  }
0x5e: {  	(xrf0) =	vmax.scan.msk.u32 $0xffff, v4;
	v4 =	vsub.s32 $0x0, v6  }
0x5f: {  	v4 =	vperm.xlane v4, v3  }
0x60: {  	v60, _, _ =	vpop (xrf0)  }
0x61: {  	v7 =	vld [tilespmem:$0x16080];
	v6 =	vxor.u32 $0x80000000, v60;
	v4 =	vxor.u32 $0x80000000, v4  }
0x62: {  	v6 =	vperm.xlane v6, v3;
	(xrf0) =	vmax.scan.msk.u32 $0xffff, v4;
	v4 =	vsub.s32 $0x0, v5  }
0x63: {  	v4 =	vperm.xlane v4, v3  }
0x64: {  	vm0 =	vgt.s32 v6, $0xC0000000;
	v5, _, _ =	vpop (xrf0)  }
0x65: {  	v6 =	vnsel vm0, $0xC0000000, v6;
	v5 =	vxor.u32 $0x80000000, v5;
	v4 =	vxor.u32 $0x80000000, v4  }
0x66: {  	v5 =	vperm.xlane v5, v3;
	v8 =	vbroadcast v6, $0x0;
	(xrf0) =	vmax.scan.msk.u32 $0xffff, v4;
	v4 =	vsub.s32 $0x0, v7  }
0x67: {  	v4 =	vperm.xlane v4, v3  }
0x68: {  	vm12 =	vgt.s32 v5, v8;
	v61, _, _ =	vpop (xrf0)  }
0x69: {  	v5 =	vsel vm12, v5, v8;
	v7 =	vxor.u32 $0x80000000, v61;
	v4 =	vxor.u32 $0x80000000, v4  }
0x6a: {  	v7 =	vperm.xlane v7, v3;
	v8 =	vbroadcast v5, $0x0;
	(xrf0) =	vmax.scan.msk.u32 $0xffff, v4;
	_ =	sdelay $0x1  }
0x6b: {  	v4, _, _ =	vpop (xrf0);
	vm13 =	vgt.s32 v7, v8  }
0x6c: {  	v7 =	vsel vm13, v7, v8;
	v4 =	vxor.u32 $0x80000000, v4  }
0x6d: {  	v4 =	vperm.xlane v4, v3;
	v8 =	vbroadcast v7, $0x0;
	_ =	sdelay $0x1  }
0x6e: {  	vm14 =	vgt.s32 v4, v8;
	v9, _, _ =	vpop (xrf0)  }
0x6f: {  	v4 =	vsel vm14, v4, v8;
	v62 =	vxor.u32 $0x80000000, v9  }
0x70: {  	v6 =	vsub.s32 $0x0, v6;
	v8 =	vperm.xlane v62, v3;
	v63 =	vbroadcast v4, $0x0  }
0x71: {  	[tilespmem:$0x160C0] =	vst v6;
	v5 =	vsub.s32 $0x0, v5  }
0x72: {  	[tilespmem:$0x160B0] =	vst v5;
	v5 =	vsub.s32 $0x0, v7;
	vm15 =	vgt.s32 v8, v63  }
0x73: {  	[tilespmem:$0x160A0] =	vst v5;
	v4 =	vsub.s32 $0x0, v4;
	v5 =	vsel vm15, v8, v63  }
0x74: {  	[tilespmem:$0x16090] =	vst v4;
	v4 =	vsub.s32 $0x0, v5  }
0x75: {  	[tilespmem:$0x16080] =	vst v4  }
0x76: {  	[tilespmem:s5], [sflag:$0x1] =	stream.linear.gather [hbm4b:s9+s5], $0x2000, $0x38;
	[tilespmem:$0x16180] =	vst v63  }
0x77: {  	_ = 	snop  }
0x78: {  	[tilespmem:s16], [sflag:$0x1] =	stream.linear.gather [hbm4b:s11+s5], $0x2000, $0x38;
	[tilespmem:$0x16180] =	vst v63  }
0x79: {  	v4 =	vld [tilespmem:$0x16080];
	_ =	sdelay $0x4  }
0x7a: {  	(v2sf) =	vpush v4, $0x0  }
0x7b: {  	(v2sf) =	vpush v4, $0x1;
	_ =	sdelay $0xd  }
0x7c: {  	s0 =	spop (v2sf)  }
0x7d: {  	s3 =	spop (v2sf);
	s24 =	sand.u32 $0xFFFFFFF8, s0  }
0x7e: {  	s0 =	ssub.s32 s3, s24  }
0x7f: {  	s0 =	sadd.s32 $0x7FF, s0  }
0x80: {  	s30 =	sand.u32 $0x7FF, s0  }
0x81: {  	s19 =	sshra.s32 s0, $0x1F;
	p0 =	slt.s32 s0, $0x1;
	p1 =	sne.s32 s30, $0x0  }
0x82: {  	s31 =	sshrl.u32 s19, $0x15;
	p0 =	por !p0, !p1  }
0x83: {  	s3 =	simm.s32 $0x1;
	s0 =	sadd.s32 s31, s0;
	p0 =	por !p0, !p0  }
0x84: {  	s0 =	sshra.s32 s0, $0xB;
	s3 =	simm.s32 @!p0 $0x0  }
0x85: {  	s0 =	ssub.s32 s0, s3  }
0x86: {  	p0 =	slt.s32 s0, $0x1  }
0x87: {  	p1 =	slt.s32 @!p0 s24, $0x3FF800  }
0x88: {  	s3 =	smov.u32 s24;
	p1 =	por !p1, p0  }
0x89: {  	s3 =	simm.s32 @p1 $0x3FF800  }
0x8a: {  	s19 =	sadd.s32 @!p0 $0x8, s3  }
0x8b: {  	s20 =	simm.s32 @!p0 $0x0;
	s19 =	sshrl.u32 @!p0 s19, $0x3  }
0x8c: {  	s25 =	simm.s32 @!p0 $0x8000;
	s3 =	sshrl.u32 @!p0 s3, $0x3;
	s19 =	sadd.s32 @!p0 s7, s19  }
0x8d: {  	[tilespmem:s25], [sflag:$0x3] =	stream.linear.gather @!p0 [hbm4b:s19+s20], $0x800, $0x38;
	[tilespmem:$0x16180] =	vst v63  }
0x8e: {  	p1 =	seq.s32 @!p0 s0, $0x1;
	s3 =	sadd.s32 @!p0 s2, s3;
	s19 =	simm.s32 @!p0 $0xD000  }
0x8f: {  	[tilespmem:s19], [sflag:$0x3] =	stream.linear.gather @!p0 [hbm4b:s3+s20], $0x800, $0x38;
	[tilespmem:$0x16180] =	vst v63  }
0x90: {  	p0 =	por p0, p1  }
.Ltmp5:
0x91: {  	_ = 	snop;
	(pc) =	sbr.rel @p0 .LBB2_9-.Ltmp5, $1  }
0x92: {  	_ =	sdelay $0x3  }
0x93: {  	s3 =	sadd.s32 $0x800, s24  }
0x94: {  	p0 =	slt.s32 s3, $0x3FF800  }
0x95: {  	s3 =	simm.s32 @!p0 $0x3FF800  }
0x96: {  	s19 =	sadd.s32 $0x8, s3  }
0x97: {  	s19 =	sshrl.u32 s19, $0x3  }
0x98: {  	s13 =	simm.s32 $0x8800;
	s3 =	sshrl.u32 s3, $0x3;
	s19 =	sadd.s32 s7, s19  }
0x99: {  	[tilespmem:s13], [sflag:$0x3] =	stream.linear.gather [hbm4b:s19+s5], $0x800, $0x38;
	[tilespmem:$0x16180] =	vst v63  }
0x9a: {  	s31 =	simm.s32 $0xD800;
	p0 =	slt.u32 s0, $0x3;
	s3 =	sadd.s32 s2, s3  }
0x9b: {  	[tilespmem:s31], [sflag:$0x3] =	stream.linear.gather [hbm4b:s3+s5], $0x800, $0x38;
	[tilespmem:$0x16180] =	vst v63  }
0x9c: {  	s3 =	sadd.s32 @!p0 $0x1000, s24  }
0x9d: {  	p1 =	slt.s32 @!p0 s3, $0x3FF800  }
0x9e: {  	p1 =	por !p1, p0  }
0x9f: {  	s3 =	simm.s32 @p1 $0x3FF800  }
0xa0: {  	s19 =	sadd.s32 @!p0 $0x8, s3  }
0xa1: {  	s20 =	simm.s32 @!p0 $0x0;
	s25 =	simm.s32 @!p0 $0x9000;
	s19 =	sshrl.u32 @!p0 s19, $0x3  }
0xa2: {  	p1 =	seq.s32 @!p0 s0, $0x3;
	s3 =	sshrl.u32 @!p0 s3, $0x3;
	s19 =	sadd.s32 @!p0 s7, s19  }
0xa3: {  	[tilespmem:s25], [sflag:$0x3] =	stream.linear.gather @!p0 [hbm4b:s19+s20], $0x800, $0x38;
	[tilespmem:$0x16180] =	vst v63  }
0xa4: {  	p2 =	por p1, p0;
	s3 =	sadd.s32 @!p0 s2, s3;
	s19 =	simm.s32 @!p0 $0xE000  }
0xa5: {  	[tilespmem:s19], [sflag:$0x3] =	stream.linear.gather @!p0 [hbm4b:s3+s20], $0x800, $0x38;
	[tilespmem:$0x16180] =	vst v63  }
0xa6: {  	s3 =	sadd.s32 @!p2 $0x1800, s24  }
0xa7: {  	p3 =	slt.s32 @!p2 s3, $0x3FF800  }
0xa8: {  	p3 =	por @!p0 !p3, p1  }
0xa9: {  	p3 =	por !p3, p0  }
0xaa: {  	p4 =	slt.u32 @!p2 s0, $0x5;
	s3 =	simm.s32 @!p3 $0x3FF800  }
0xab: {  	s25 =	simm.s32 @!p2 $0x9800;
	p3 =	por @!p0 p4, p1;
	s19 =	sadd.s32 @!p2 $0x8, s3  }
0xac: {  	s20 =	simm.s32 @!p2 $0x0;
	p3 =	por p3, p0;
	s19 =	sshrl.u32 @!p2 s19, $0x3  }
0xad: {  	s3 =	sshrl.u32 @!p2 s3, $0x3;
	s0 =	sadd.s32 @!p3 $0x2000, s24;
	s19 =	sadd.s32 @!p2 s7, s19  }
0xae: {  	[tilespmem:s25], [sflag:$0x3] =	stream.linear.gather @!p2 [hbm4b:s19+s20], $0x800, $0x38;
	[tilespmem:$0x16180] =	vst v63  }
0xaf: {  	s3 =	sadd.s32 @!p2 s2, s3;
	p5 =	slt.s32 @!p3 s0, $0x3FF800;
	s19 =	simm.s32 @!p2 $0xE800  }
0xb0: {  	[tilespmem:s19], [sflag:$0x3] =	stream.linear.gather @!p2 [hbm4b:s3+s20], $0x800, $0x38;
	[tilespmem:$0x16180] =	vst v63  }
0xb1: {  	p2 =	por @!p2 !p5, p4  }
0xb2: {  	p1 =	por @!p0 !p2, p1  }
0xb3: {  	p0 =	por !p1, p0  }
0xb4: {  	s0 =	simm.s32 @p0 $0x3FF800  }
0xb5: {  	s3 =	sadd.s32 @!p3 $0x8, s0  }
0xb6: {  	s19 =	simm.s32 @!p3 $0x0;
	s3 =	sshrl.u32 @!p3 s3, $0x3  }
0xb7: {  	s20 =	simm.s32 @!p3 $0xA000;
	s0 =	sshrl.u32 @!p3 s0, $0x3;
	s3 =	sadd.s32 @!p3 s7, s3  }
0xb8: {  	[tilespmem:s20], [sflag:$0x3] =	stream.linear.gather @!p3 [hbm4b:s3+s19], $0x800, $0x38;
	[tilespmem:$0x16180] =	vst v63  }
0xb9: {  	s0 =	sadd.s32 @!p3 s2, s0;
	s3 =	simm.s32 @!p3 $0xF000  }
0xba: {  	[tilespmem:s3], [sflag:$0x3] =	stream.linear.gather @!p3 [hbm4b:s0+s19], $0x800, $0x38;
	[tilespmem:$0x16180] =	vst v63  }
.LBB2_9:
.Ltmp6:
0xbb: {  	(pc) =	sbr.rel .LBB2_10-.Ltmp6, $2  }
0xbc: {  	_ =	sdelay $0x2  }
0xbd: {  	s28 =	simm.s32 $0x0  }
.LBB2_38:
0xbe: {  	_ =	sdelay $0x4  }
0xbf: {  	[tilespmem:v8+s5+$0x0] =	vst.idx.msk vm0, v7  }
.LBB2_39:
0xc0: {  	p0 =	slt.u32 s26, $0x40  }
.Ltmp7:
0xc1: {  	_ = 	snop;
	(pc) =	sbr.rel @!p0 .LBB2_40-.Ltmp7, $4  }
0xc2: {  	s0 =	sshrl.u32 s29, $0x3  }
0xc3: {  	s0 =	sadd.s32 s4, s0  }
0xc4: {  	[hbm4b:s0+s5] =	stream.linear.scatter [tilespmem:s28], [sflag:$0x2], $0x2000, $0x38;
	[tilespmem:$0x16180] =	vst v63  }
0xc5: {  	s28 =	smov.u32 s26  }
.LBB2_10:
0xc6: {  	v5 =	vld [tilespmem:s28+$0x16080];
	_ =	sdelay $0x4  }
0xc7: {  	(v2sf) =	vpush v5, $0x0  }
0xc8: {  	(v2sf) =	vpush v5, $0x1;
	_ =	sdelay $0xd  }
0xc9: {  	s0 =	spop (v2sf)  }
0xca: {  	s24 =	spop (v2sf);
	s25 =	sand.u32 $0xFFFFFFF8, s0  }
0xcb: {  	s0 =	ssub.s32 s24, s25  }
0xcc: {  	s0 =	sadd.s32 $0x7FF, s0  }
0xcd: {  	s3 =	sand.u32 $0x7FF, s0  }
0xce: {  	s31 =	sshra.s32 s0, $0x1F;
	p1 =	slt.s32 s0, $0x1;
	p0 =	sne.s32 s3, $0x0  }
0xcf: {  	s3 =	sshrl.u32 s31, $0x15;
	p0 =	por !p1, !p0  }
0xd0: {  	s0 =	sadd.s32 s3, s0;
	s3 =	simm.s32 $0x1;
	p0 =	por !p0, !p0  }
0xd1: {  	s0 =	sshra.s32 s0, $0xB;
	s3 =	simm.s32 @!p0 $0x0  }
0xd2: {  	_ =	swait.ge [sflag:s15], $0x2000;
	s0 =	ssub.s32 s0, s3  }
0xd3: {  	[sflag:s15] =	ssyncset.done $0x0;
	p3 =	slt.s32 s0, $0x1  }
0xd4: {  	[sflag:s15] =	ssyncadd.s32 $0xFFFFE000;
	s3 =	simm.s32 @!p3 $0x3;
	p0 =	seq.s32 @!p3 s0, $0x1  }
0xd5: {  	_ =	swait.ge @!p3 [sflag:s3], $0x800;
	p0 =	por p3, p0  }
.Ltmp8:
0xd6: {  	[sflag:s3] =	ssyncset.done @!p3 $0x0;
	(pc) =	sbr.rel @!p0 .LBB2_12-.Ltmp8, $4  }
0xd7: {  	[sflag:s3] =	ssyncadd.s32 @!p3 $0xFFFFF800  }
0xd8: {  	_ =	swait.ge @!p3 [sflag:s3], $0x800  }
0xd9: {  	[sflag:s3] =	ssyncset.done @!p3 $0x0  }
0xda: {  	[sflag:s3] =	ssyncadd.s32 @!p3 $0xFFFFF800  }
.Ltmp9:
0xdb: {  	p0 =	por @!p3 $0x0, $0x0;
	p1 =	por $0x0, $0x0;
	(pc) =	sbr.rel .LBB2_13-.Ltmp9, $4  }
0xdc: {  	p1 =	por @!p3 p0, p0  }
0xdd: {  	p5 =	por $0x0, $0x0;
	p2 =	por $0x0, $0x0;
	s0 =	simm.s32 @!p1 $0x0  }
0xde: {  	p6 =	por $0x0, $0x0;
	p5 =	por @!p3 p0, p0;
	s0 =	simm.s32 @p1 $0x1  }
0xdf: {  	p2 =	por @!p3 p0, p0;
	p6 =	por @!p3 p0, p0;
	[smem:$0x7FD] =	sst s0  }
.LBB2_12:
0xe0: {  	_ =	swait.ge [sflag:s18], $0x800  }
0xe1: {  	[sflag:s18] =	ssyncset.done $0x0  }
0xe2: {  	[sflag:s18] =	ssyncadd.s32 $0xFFFFF800  }
0xe3: {  	_ =	swait.ge [sflag:s18], $0x800  }
0xe4: {  	p5 =	slt.u32 s0, $0x3;
	[sflag:s18] =	ssyncset.done $0x0  }
0xe5: {  	s3 =	simm.s32 @!p5 $0x3;
	[sflag:s18] =	ssyncadd.s32 $0xFFFFF800  }
0xe6: {  	_ =	swait.ge @!p5 [sflag:s3], $0x800  }
0xe7: {  	[sflag:s3] =	ssyncset.done @!p5 $0x0  }
0xe8: {  	[sflag:s3] =	ssyncadd.s32 @!p5 $0xFFFFF800  }
0xe9: {  	p1 =	seq.s32 @!p5 s0, $0x3;
	_ =	swait.ge @!p5 [sflag:s3], $0x800  }
0xea: {  	p2 =	por p1, p5;
	[sflag:s3] =	ssyncset.done @!p5 $0x0  }
0xeb: {  	s13 =	simm.s32 @!p3 $0x0;
	[sflag:s3] =	ssyncadd.s32 @!p5 $0xFFFFF800;
	s3 =	simm.s32 @!p2 $0x3  }
0xec: {  	s13 =	simm.s32 @p3 $0x1;
	_ =	swait.ge @!p2 [sflag:s3], $0x800  }
0xed: {  	p4 =	slt.u32 @!p2 s0, $0x5;
	p6 =	por @!p2 $0x1, $0x1;
	[sflag:s3] =	ssyncset.done @!p2 $0x0  }
0xee: {  	p0 =	por @!p5 p4, p1;
	p4 =	por @!p5 !p4, p1;
	[sflag:s3] =	ssyncadd.s32 @!p2 $0xFFFFF800  }
0xef: {  	p1 =	por !p1, p5;
	p0 =	por p0, p5;
	_ =	swait.ge @!p2 [sflag:s3], $0x800  }
0xf0: {  	p4 =	por !p4, p5;
	s0 =	simm.s32 @!p0 $0x3;
	[sflag:s3] =	ssyncset.done @!p2 $0x0  }
0xf1: {  	p3 =	por @!p0 $0x1, $0x1;
	[smem:$0x7FB] =	sst s13;
	[sflag:s3] =	ssyncadd.s32 @!p2 $0xFFFFF800  }
0xf2: {  	p6 =	por @!p4 p3, p3;
	p2 =	por @!p2 $0x0, $0x0;
	_ =	swait.ge @!p0 [sflag:s0], $0x800  }
0xf3: {  	p2 =	por @!p4 p3, p3;
	p3 =	por @!p5 $0x1, $0x1;
	p4 =	por p6, p6  }
0xf4: {  	[sflag:s0] =	ssyncset.done @!p0 $0x0;
	p4 =	por @!p1 p3, p3;
	p3 =	por @!p5 $0x0, $0x0  }
0xf5: {  	p2 =	por @!p1 p3, p3;
	p6 =	por @!p1 p3, p3;
	p1 =	por $0x0, $0x0  }
0xf6: {  	[sflag:s0] =	ssyncadd.s32 @!p0 $0xFFFFF800;
	p1 =	por @!p5 p2, p2  }
0xf7: {  	p3 =	por $0x1, $0x1;
	_ =	swait.ge @!p0 [sflag:s0], $0x800;
	s3 =	simm.s32 @!p1 $0x0  }
0xf8: {  	p2 =	por $0x0, $0x0;
	s30 =	sld [smem:$0x7FB];
	s3 =	simm.s32 @p1 $0x1  }
0xf9: {  	p3 =	por @!p5 p4, p4;
	[sflag:s0] =	ssyncset.done @!p0 $0x0;
	[smem:$0x7FC] =	sst s3  }
0xfa: {  	p2 =	por @!p5 p6, p6;
	p1 =	por $0x0, $0x0;
	s31 =	sld [smem:$0x7FC]  }
0xfb: {  	p6 =	por p2, p2;
	[sflag:s0] =	ssyncadd.s32 @!p0 $0xFFFFF800;
	s3 =	simm.s32 @!p3 $0x0  }
0xfc: {  	p1 =	por @!p5 p4, p4;
	s3 =	simm.s32 @p3 $0x1;
	p3 =	seq.s32 s30, $0x1  }
0xfd: {  	p2 =	por p1, p1;
	[smem:$0x7FD] =	sst s3;
	p5 =	seq.s32 s31, $0x1  }
.LBB2_13:
0xfe: {  	p0 =	slt.u32 s28, $0x2  }
0xff: {  	p1 =	sgt.u32 @!p0 s28, $0x3D  }
0x100: {  	p1 =	por p0, !p1  }
.Ltmp10:
0x101: {  	_ = 	snop;
	(pc) =	sbr.rel @!p1 .LBB2_15-.Ltmp10, $4  }
0x102: {  	s0 =	simm.s32 @!p0 $0x2  }
0x103: {  	_ =	swait.ge @!p0 [sflag:s0], $0x2000  }
0x104: {  	[sflag:s0] =	ssyncset.done @!p0 $0x0  }
0x105: {  	s30 =	sand.u32 $0x1, s28;
	s29 =	sshll.u32 s28, $0xD;
	[sflag:s0] =	ssyncadd.s32 @!p0 $0xFFFFE000  }
.Ltmp11:
0x106: {  	s0 =	sadd.s32 $0x4000, s29;
	(pc) =	sbr.rel .LBB2_16-.Ltmp11, $4  }
0x107: {  	s3 =	sadd.s32 s10, s0  }
0x108: {  	s3 =	sshrl.u32 s3, $0x3  }
0x109: {  	s31 =	sadd.s32 $0x1, s28;
	s0 =	sand.u32 $0x6000, s0;
	s3 =	sadd.s32 s1, s3  }
0x10a: {  	[tilespmem:s0], [sflag:$0x1] =	stream.linear.gather [hbm4b:s3+s5], $0x2000, $0x38;
	[tilespmem:$0x16180] =	vst v63  }
.LBB2_15:
0x10b: {  	p0 =	seq.s32 s28, $0x3F  }
.Ltmp12:
0x10c: {  	_ = 	snop;
	(pc) =	sbr.rel @p0 .LBB2_19-.Ltmp12, $2  }
0x10d: {  	_ =	sdelay $0x2  }
0x10e: {  	s31 =	simm.s32 $0x3F;
	s26 =	simm.s32 $0x40  }
.LBB2_16:
0x10f: {  	v4 =	vld [tilespmem:s31+$0x16080];
	_ =	sdelay $0x4  }
0x110: {  	(v2sf) =	vpush v4, $0x0  }
0x111: {  	(v2sf) =	vpush v4, $0x1;
	_ =	sdelay $0xd  }
0x112: {  	s0 =	spop (v2sf)  }
0x113: {  	s3 =	spop (v2sf);
	s26 =	sand.u32 $0xFFFFFFF8, s0  }
0x114: {  	s0 =	ssub.s32 s3, s26  }
0x115: {  	s0 =	sadd.s32 $0x7FF, s0  }
0x116: {  	s20 =	sand.u32 $0x7FF, s0  }
0x117: {  	s19 =	sshra.s32 s0, $0x1F;
	p0 =	slt.s32 s0, $0x1;
	p1 =	sne.s32 s20, $0x0  }
0x118: {  	s21 =	sshrl.u32 s19, $0x15;
	p0 =	por !p0, !p1  }
0x119: {  	s3 =	simm.s32 $0x1;
	s0 =	sadd.s32 s21, s0;
	p0 =	por !p0, !p0  }
0x11a: {  	s0 =	sshra.s32 s0, $0xB;
	s3 =	simm.s32 @!p0 $0x0  }
0x11b: {  	s3 =	ssub.s32 s0, s3  }
0x11c: {  	p0 =	slt.s32 s3, $0x1  }
0x11d: {  	p1 =	slt.s32 @!p0 s26, $0x3FF800  }
0x11e: {  	s19 =	smov.u32 s26;
	p1 =	por !p1, p0  }
0x11f: {  	s0 =	sxor.u32 @!p0 $0x1, s30;
	s19 =	simm.s32 @p1 $0x3FF800;
	p1 =	seq.s32 @!p0 s3, $0x1  }
0x120: {  	s0 =	smul.u32 @!p0 $0x2800, s0;
	s20 =	sadd.s32 @!p0 $0x8, s19;
	p1 =	por p0, p1  }
.Ltmp13:
0x121: {  	s13 =	simm.s32 @!p0 $0x0;
	s20 =	sshrl.u32 @!p0 s20, $0x3;
	(pc) =	sbr.rel @!p1 .LBB2_18-.Ltmp13, $4  }
0x122: {  	s21 =	sor.u32 @!p0 $0x8000, s0;
	s19 =	sshrl.u32 @!p0 s19, $0x3;
	s20 =	sadd.s32 @!p0 s7, s20  }
0x123: {  	[tilespmem:s21], [sflag:$0x3] =	stream.linear.gather @!p0 [hbm4b:s20+s13], $0x800, $0x38;
	[tilespmem:$0x16180] =	vst v63  }
0x124: {  	s19 =	sadd.s32 @!p0 s2, s19;
	s20 =	sadd.s32 @!p0 $0xD000, s0  }
0x125: {  	[tilespmem:s20], [sflag:$0x3] =	stream.linear.gather @!p0 [hbm4b:s19+s13], $0x800, $0x38;
	[tilespmem:$0x16180] =	vst v63  }
.Ltmp14:
0x126: {  	(pc) =	sbr.rel .LBB2_19-.Ltmp14, $3  }
0x127: {  	_ =	sdelay $0x1  }
0x128: {  	s31 =	smov.u32 @p0 s31  }
0x129: {  	s26 =	smov.u32 s31  }
.LBB2_18:
0x12a: {  	s13 =	sadd.s32 $0x800, s26  }
0x12b: {  	p0 =	slt.s32 s13, $0x3FF800  }
0x12c: {  	s13 =	simm.s32 @!p0 $0x3FF800  }
0x12d: {  	s19 =	sadd.s32 $0x8, s13  }
0x12e: {  	s19 =	sshrl.u32 s19, $0x3  }
0x12f: {  	s20 =	sadd.s32 $0x8800, s0;
	s13 =	sshrl.u32 s13, $0x3;
	s19 =	sadd.s32 s7, s19  }
0x130: {  	[tilespmem:s20], [sflag:$0x3] =	stream.linear.gather [hbm4b:s19+s5], $0x800, $0x38;
	[tilespmem:$0x16180] =	vst v63  }
0x131: {  	s21 =	sadd.s32 $0xD800, s0;
	s13 =	sadd.s32 s2, s13  }
0x132: {  	[tilespmem:s21], [sflag:$0x3] =	stream.linear.gather [hbm4b:s13+s5], $0x800, $0x38;
	[tilespmem:$0x16180] =	vst v63  }
0x133: {  	s13 =	simm.s32 @!p5 $0x0  }
0x134: {  	s13 =	simm.s32 @p5 $0x1;
	p5 =	slt.u32 s3, $0x3  }
0x135: {  	[smem:$0x7FC] =	sst s13;
	s13 =	sadd.s32 @!p5 $0x1000, s26  }
0x136: {  	p0 =	slt.s32 @!p5 s13, $0x3FF800  }
0x137: {  	p0 =	por !p0, p5  }
0x138: {  	s13 =	simm.s32 @p0 $0x3FF800  }
0x139: {  	s19 =	sadd.s32 @!p5 $0x8, s13  }
0x13a: {  	s20 =	sadd.s32 @!p5 $0x9000, s0;
	s19 =	sshrl.u32 @!p5 s19, $0x3  }
0x13b: {  	s21 =	simm.s32 @!p5 $0x0;
	s13 =	sshrl.u32 @!p5 s13, $0x3;
	s19 =	sadd.s32 @!p5 s7, s19  }
0x13c: {  	[tilespmem:s20], [sflag:$0x3] =	stream.linear.gather @!p5 [hbm4b:s19+s21], $0x800, $0x38;
	[tilespmem:$0x16180] =	vst v63  }
0x13d: {  	s13 =	sadd.s32 @!p5 s2, s13;
	s19 =	sadd.s32 @!p5 $0xE000, s0  }
0x13e: {  	[tilespmem:s19], [sflag:$0x3] =	stream.linear.gather @!p5 [hbm4b:s13+s21], $0x800, $0x38;
	[tilespmem:$0x16180] =	vst v63  }
0x13f: {  	p0 =	seq.s32 @!p5 s3, $0x3;
	s13 =	simm.s32 @!p6 $0x0  }
0x140: {  	s13 =	simm.s32 @p6 $0x1;
	p6 =	por p0, p5  }
0x141: {  	[smem:$0x7F9] =	sst s13;
	s13 =	sadd.s32 @!p6 $0x1800, s26  }
0x142: {  	p1 =	slt.s32 @!p6 s13, $0x3FF800  }
0x143: {  	p1 =	por @!p5 !p1, p0  }
0x144: {  	p1 =	por !p1, p5  }
0x145: {  	s13 =	simm.s32 @!p1 $0x3FF800  }
0x146: {  	s20 =	sadd.s32 @!p6 $0x9800, s0;
	s19 =	sadd.s32 @!p6 $0x8, s13  }
0x147: {  	s21 =	simm.s32 @!p6 $0x0;
	p4 =	slt.u32 @!p6 s3, $0x5;
	s19 =	sshrl.u32 @!p6 s19, $0x3  }
0x148: {  	p1 =	por @!p5 p4, p0;
	s13 =	sshrl.u32 @!p6 s13, $0x3;
	s19 =	sadd.s32 @!p6 s7, s19  }
0x149: {  	[tilespmem:s20], [sflag:$0x3] =	stream.linear.gather @!p6 [hbm4b:s19+s21], $0x800, $0x38;
	[tilespmem:$0x16180] =	vst v63  }
0x14a: {  	p1 =	por p1, p5;
	s13 =	sadd.s32 @!p6 s2, s13;
	s19 =	sadd.s32 @!p6 $0xE800, s0  }
0x14b: {  	[tilespmem:s19], [sflag:$0x3] =	stream.linear.gather @!p6 [hbm4b:s13+s21], $0x800, $0x38;
	[tilespmem:$0x16180] =	vst v63  }
0x14c: {  	s3 =	sadd.s32 @!p1 $0x2000, s26;
	s13 =	simm.s32 @!p2 $0x0  }
0x14d: {  	s13 =	simm.s32 @p2 $0x1;
	p2 =	slt.s32 @!p1 s3, $0x3FF800  }
0x14e: {  	p2 =	por @!p6 !p2, p4  }
0x14f: {  	s20 =	sld [smem:$0x7F9];
	p0 =	por @!p5 !p2, p0  }
0x150: {  	s26 =	sld [smem:$0x7FC];
	p0 =	por !p0, p5  }
0x151: {  	s19 =	sadd.s32 @!p1 $0xA000, s0;
	s0 =	sadd.s32 @!p1 $0xF000, s0;
	s3 =	simm.s32 @p0 $0x3FF800  }
0x152: {  	[smem:$0x7FA] =	sst s13;
	p6 =	seq.s32 s20, $0x1;
	s13 =	sadd.s32 @!p1 $0x8, s3  }
0x153: {  	s20 =	simm.s32 @!p1 $0x0;
	s21 =	sld [smem:$0x7FA];
	s13 =	sshrl.u32 @!p1 s13, $0x3  }
0x154: {  	p5 =	seq.s32 s26, $0x1;
	s3 =	sshrl.u32 @!p1 s3, $0x3;
	s13 =	sadd.s32 @!p1 s7, s13  }
0x155: {  	[tilespmem:s19], [sflag:$0x3] =	stream.linear.gather @!p1 [hbm4b:s13+s20], $0x800, $0x38;
	[tilespmem:$0x16180] =	vst v63  }
0x156: {  	s26 =	smov.u32 s31;
	p2 =	seq.s32 s21, $0x1;
	s3 =	sadd.s32 @!p1 s2, s3  }
0x157: {  	[tilespmem:s0], [sflag:$0x3] =	stream.linear.gather @!p1 [hbm4b:s3+s20], $0x800, $0x38;
	[tilespmem:$0x16180] =	vst v63  }
.LBB2_19:
0x158: {  	p0 =	slt.s32 s25, $0x3FF800;
	s31 =	smov.u32 s25  }
0x159: {  	s31 =	simm.s32 @!p0 $0x3FF800  }
0x15a: {  	s0 =	ssub.s32 s24, s31  }
0x15b: {  	s0 =	sadd.s32 $0xF, s0  }
0x15c: {  	s3 =	sand.u32 $0xF, s0  }
0x15d: {  	s13 =	sshra.s32 s0, $0x1F;
	p4 =	slt.s32 s0, $0x1;
	p1 =	sne.s32 s3, $0x0  }
0x15e: {  	s19 =	sshrl.u32 s13, $0x1C;
	p0 =	por !p4, !p1  }
0x15f: {  	s3 =	simm.s32 $0x1;
	s0 =	sadd.s32 s19, s0;
	p0 =	por !p0, !p0  }
0x160: {  	s0 =	sshra.s32 s0, $0x4;
	s3 =	simm.s32 @!p0 $0x0  }
0x161: {  	s0 =	ssub.s32 s0, s3  }
0x162: {  	p0 =	slt.s32 @!p3 s0, $0x1  }
0x163: {  	p0 =	por p3, p0  }
.Ltmp15:
0x164: {  	_ = 	snop;
	(pc) =	sbr.rel @p0 .LBB2_23-.Ltmp15, $4  }
0x165: {  	s20 =	sand.u32 $0x3, s28  }
0x166: {  	s29 =	sor.u32 s10, s29;
	s28 =	sshll.u32 s20, $0xD  }
0x167: {  	s30 =	smul.u32 $0x2800, s30;
	s21 =	ssub.s32 s28, s29  }
0x168: {  	v4 =	vbroadcast v5, $0x0;
	v5 =	vbroadcast v5, $0x1;
	v6 =	vmov s21  }
0x169: {  	s3 =	simm.s32 $0x0;
	s13 =	sadd.s32 $0x0, s30  }
0x16a: {  	s13 =	sand.u32 $0x7FFFFF80, s13;
	s3 =	sand.u32 $0x70, s3  }
0x16b: {  	s13 =	sor.u32 s3, s13  }
0x16c: {  	v7 =	vld [tilespmem:s13+$0x8000];
	_ =	sdelay $0x2  }
0x16d: {  	s21 =	sadd.s32 $0x0, s31;
	p0 =	sgt.s32 s0, $0x0  }
0x16e: {  	v8 =	vadd.s32 s21, v0;
	s0 =	simm.s32 @!p0 $0x0  }
0x16f: {  	vm0 =	vge.s32 v8, v4;
	s0 =	smin.u32 s0, $0x80;
	vm1 =	vlt.s32 v8, v5;
	v9 =	vshll.u32 v7, $0x3  }
0x170: {  	p0 =	sgt.u32 s0, $0x1;
	v10 =	vadd.s32 v6, v7;
	v7 =	vand.u32 $0x7F, v7;
	v9 =	vand.u32 $0x1C00, v9  }
.Ltmp16:
0x171: {  	v7 =	vor.u32 v7, v9;
	v9 =	vand.u32 $0xFFFFE000, v10;
	v10 =	vshrl.u32 v10, $0x3;
	(pc) =	sbr.rel @!p0 .LBB2_22-.Ltmp16, $3  }
0x172: {  	vm0 =	vmand vm0, vm1;
	v8 =	vand.u32 $0x380, v10;
	v9 =	vor.u32 v9, v7  }
0x173: {  	v7 =	vld [tilespmem:s13+$0xD000];
	v8 =	vor.u32 v8, v9;
	_ =	sdelay $0x1  }
0x174: {  	s19 =	simm.s32 $0x10;
	s3 =	simm.s32 $0x1  }
.LBB2_21:
0x175: {  	s13 =	sadd.s32 s19, s30;
	s3 =	sadd.s32 $0x1, s3  }
0x176: {  	s20 =	sand.u32 $0x70, s19;
	s13 =	sand.u32 $0x7FFFFF80, s13;
	p4 =	sgt.u32 s0, s3  }
0x177: {  	s13 =	sor.u32 s20, s13;
	[tilespmem:v8+s5+$0x0] =	vst.idx.msk vm0, v7  }
0x178: {  	v7 =	vld [tilespmem:s13+$0x8000];
	_ =	sdelay $0x2  }
0x179: {  	s20 =	sadd.s32 s19, s31  }
0x17a: {  	v8 =	vadd.s32 s20, v0  }
0x17b: {  	vm0 =	vge.s32 v8, v4;
	vm1 =	vlt.s32 v8, v5;
	v8 =	vshll.u32 v7, $0x3  }
0x17c: {  	v9 =	vadd.s32 v6, v7;
	v7 =	vand.u32 $0x7F, v7;
	v8 =	vand.u32 $0x1C00, v8  }
.Ltmp17:
0x17d: {  	v10 =	vand.u32 $0xFFFFE000, v9;
	v9 =	vshrl.u32 v9, $0x3;
	v7 =	vor.u32 v7, v8;
	(pc) =	sbr.rel @p4 .LBB2_21-.Ltmp17, $3  }
0x17e: {  	vm0 =	vmand vm0, vm1;
	v8 =	vand.u32 $0x380, v9;
	v9 =	vor.u32 v10, v7  }
0x17f: {  	v7 =	vld [tilespmem:s13+$0xD000];
	v8 =	vor.u32 v8, v9;
	_ =	sdelay $0x1  }
0x180: {  	s19 =	sadd.s32 $0x10, s19  }
.LBB2_22:
0x181: {  	_ =	sdelay $0x4  }
0x182: {  	[tilespmem:v8+s5+$0x0] =	vst.idx.msk vm0, v7  }
.LBB2_23:
0x183: {  	s31 =	sadd.s32 $0x800, s25  }
0x184: {  	p0 =	slt.s32 s31, $0x3FF800  }
0x185: {  	s31 =	simm.s32 @!p0 $0x3FF800  }
0x186: {  	s0 =	ssub.s32 s24, s31  }
0x187: {  	s0 =	sadd.s32 $0xF, s0  }
0x188: {  	s3 =	sand.u32 $0xF, s0  }
0x189: {  	s20 =	sshra.s32 s0, $0x1F;
	p1 =	slt.s32 s0, $0x1;
	p3 =	sne.s32 s3, $0x0  }
0x18a: {  	s21 =	sld [smem:$0x7FD];
	s3 =	sshrl.u32 s20, $0x1C;
	p0 =	por !p1, !p3  }
0x18b: {  	s0 =	sadd.s32 s3, s0;
	s3 =	simm.s32 $0x1;
	p0 =	por !p0, !p0  }
0x18c: {  	s0 =	sshra.s32 s0, $0x4;
	s3 =	simm.s32 @!p0 $0x0  }
0x18d: {  	s3 =	ssub.s32 s0, s3  }
0x18e: {  	p4 =	seq.s32 s21, $0x1;
	p0 =	sgt.s32 s3, $0x0  }
0x18f: {  	p1 =	por !p4, !p0  }
0x190: {  	p1 =	por !p1, !p1  }
.Ltmp18:
0x191: {  	_ = 	snop;
	(pc) =	sbr.rel @!p1 .LBB2_27-.Ltmp18, $1  }
0x192: {  	_ =	sdelay $0x3  }
0x193: {  	s0 =	sadd.s32 $0x800, s30  }
0x194: {  	s13 =	simm.s32 $0x0;
	s19 =	sadd.s32 $0x0, s0  }
0x195: {  	s13 =	sand.u32 $0x70, s13;
	s19 =	sand.u32 $0x7FFFFF80, s19  }
0x196: {  	s13 =	sor.u32 s13, s19  }
0x197: {  	v7 =	vld [tilespmem:s13+$0x8000];
	_ =	sdelay $0x2  }
0x198: {  	s21 =	sadd.s32 $0x0, s31  }
0x199: {  	s3 =	simm.s32 @!p0 $0x0;
	v8 =	vadd.s32 s21, v0  }
0x19a: {  	s3 =	smin.u32 s3, $0x80;
	vm0 =	vge.s32 v8, v4;
	vm1 =	vlt.s32 v8, v5;
	v9 =	vshll.u32 v7, $0x3  }
0x19b: {  	p0 =	sgt.u32 s3, $0x1;
	v10 =	vadd.s32 v6, v7;
	v7 =	vand.u32 $0x7F, v7;
	v9 =	vand.u32 $0x1C00, v9  }
.Ltmp19:
0x19c: {  	v7 =	vor.u32 v7, v9;
	v9 =	vand.u32 $0xFFFFE000, v10;
	v10 =	vshrl.u32 v10, $0x3;
	(pc) =	sbr.rel @!p0 .LBB2_26-.Ltmp19, $3  }
0x19d: {  	vm0 =	vmand vm0, vm1;
	v8 =	vand.u32 $0x380, v10;
	v9 =	vor.u32 v9, v7  }
0x19e: {  	v7 =	vld [tilespmem:s13+$0xD000];
	v8 =	vor.u32 v8, v9;
	_ =	sdelay $0x1  }
0x19f: {  	s20 =	simm.s32 $0x10;
	s19 =	simm.s32 $0x1  }
.LBB2_25:
0x1a0: {  	s13 =	sadd.s32 s20, s0;
	s19 =	sadd.s32 $0x1, s19  }
0x1a1: {  	s21 =	sand.u32 $0x70, s20;
	s13 =	sand.u32 $0x7FFFFF80, s13;
	p3 =	sgt.u32 s3, s19  }
0x1a2: {  	s13 =	sor.u32 s21, s13;
	[tilespmem:v8+s5+$0x0] =	vst.idx.msk vm0, v7  }
0x1a3: {  	v7 =	vld [tilespmem:s13+$0x8000];
	_ =	sdelay $0x2  }
0x1a4: {  	s21 =	sadd.s32 s20, s31  }
0x1a5: {  	v8 =	vadd.s32 s21, v0  }
0x1a6: {  	vm0 =	vge.s32 v8, v4;
	vm1 =	vlt.s32 v8, v5;
	v8 =	vshll.u32 v7, $0x3  }
0x1a7: {  	v9 =	vadd.s32 v6, v7;
	v7 =	vand.u32 $0x7F, v7;
	v8 =	vand.u32 $0x1C00, v8  }
.Ltmp20:
0x1a8: {  	v10 =	vand.u32 $0xFFFFE000, v9;
	v9 =	vshrl.u32 v9, $0x3;
	v7 =	vor.u32 v7, v8;
	(pc) =	sbr.rel @p3 .LBB2_25-.Ltmp20, $3  }
0x1a9: {  	vm0 =	vmand vm0, vm1;
	v8 =	vand.u32 $0x380, v9;
	v9 =	vor.u32 v10, v7  }
0x1aa: {  	v7 =	vld [tilespmem:s13+$0xD000];
	v8 =	vor.u32 v8, v9;
	_ =	sdelay $0x1  }
0x1ab: {  	s20 =	sadd.s32 $0x10, s20  }
.LBB2_26:
0x1ac: {  	_ =	sdelay $0x4  }
0x1ad: {  	[tilespmem:v8+s5+$0x0] =	vst.idx.msk vm0, v7  }
.LBB2_27:
0x1ae: {  	s31 =	sadd.s32 $0x1000, s25  }
0x1af: {  	p0 =	slt.s32 s31, $0x3FF800  }
0x1b0: {  	s31 =	simm.s32 @!p0 $0x3FF800  }
0x1b1: {  	s0 =	ssub.s32 s24, s31  }
0x1b2: {  	s0 =	sadd.s32 $0xF, s0  }
0x1b3: {  	s3 =	sand.u32 $0xF, s0  }
0x1b4: {  	s21 =	sshra.s32 s0, $0x1F;
	p1 =	slt.s32 s0, $0x1;
	p3 =	sne.s32 s3, $0x0  }
0x1b5: {  	s3 =	sshrl.u32 s21, $0x1C;
	p0 =	por !p1, !p3  }
0x1b6: {  	s0 =	sadd.s32 s3, s0;
	s3 =	simm.s32 $0x1;
	p0 =	por !p0, !p0  }
0x1b7: {  	s0 =	sshra.s32 s0, $0x4;
	s3 =	simm.s32 @!p0 $0x0  }
0x1b8: {  	s3 =	ssub.s32 s0, s3  }
0x1b9: {  	p0 =	sgt.s32 s3, $0x0  }
0x1ba: {  	p4 =	por !p2, !p0  }
0x1bb: {  	p1 =	por !p4, !p4  }
.Ltmp21:
0x1bc: {  	_ = 	snop;
	(pc) =	sbr.rel @!p1 .LBB2_31-.Ltmp21, $1  }
0x1bd: {  	_ =	sdelay $0x3  }
0x1be: {  	s0 =	sadd.s32 $0x1000, s30  }
0x1bf: {  	s13 =	simm.s32 $0x0;
	s19 =	sadd.s32 $0x0, s0  }
0x1c0: {  	s13 =	sand.u32 $0x70, s13;
	s19 =	sand.u32 $0x7FFFFF80, s19  }
0x1c1: {  	s13 =	sor.u32 s13, s19  }
0x1c2: {  	v7 =	vld [tilespmem:s13+$0x8000];
	_ =	sdelay $0x2  }
0x1c3: {  	s21 =	sadd.s32 $0x0, s31  }
0x1c4: {  	s3 =	simm.s32 @!p0 $0x0;
	v8 =	vadd.s32 s21, v0  }
0x1c5: {  	s3 =	smin.u32 s3, $0x80;
	vm0 =	vge.s32 v8, v4;
	vm1 =	vlt.s32 v8, v5;
	v9 =	vshll.u32 v7, $0x3  }
0x1c6: {  	p0 =	sgt.u32 s3, $0x1;
	v10 =	vadd.s32 v6, v7;
	v7 =	vand.u32 $0x7F, v7;
	v9 =	vand.u32 $0x1C00, v9  }
.Ltmp22:
0x1c7: {  	v7 =	vor.u32 v7, v9;
	v9 =	vand.u32 $0xFFFFE000, v10;
	v10 =	vshrl.u32 v10, $0x3;
	(pc) =	sbr.rel @!p0 .LBB2_30-.Ltmp22, $3  }
0x1c8: {  	vm0 =	vmand vm0, vm1;
	v8 =	vand.u32 $0x380, v10;
	v9 =	vor.u32 v9, v7  }
0x1c9: {  	v7 =	vld [tilespmem:s13+$0xD000];
	v8 =	vor.u32 v8, v9;
	_ =	sdelay $0x1  }
0x1ca: {  	s20 =	simm.s32 $0x10;
	s19 =	simm.s32 $0x1  }
.LBB2_29:
0x1cb: {  	s13 =	sadd.s32 s20, s0;
	s19 =	sadd.s32 $0x1, s19  }
0x1cc: {  	s21 =	sand.u32 $0x70, s20;
	s13 =	sand.u32 $0x7FFFFF80, s13;
	p2 =	sgt.u32 s3, s19  }
0x1cd: {  	s13 =	sor.u32 s21, s13;
	[tilespmem:v8+s5+$0x0] =	vst.idx.msk vm0, v7  }
0x1ce: {  	v7 =	vld [tilespmem:s13+$0x8000];
	_ =	sdelay $0x2  }
0x1cf: {  	s21 =	sadd.s32 s20, s31  }
0x1d0: {  	v8 =	vadd.s32 s21, v0  }
0x1d1: {  	vm0 =	vge.s32 v8, v4;
	vm1 =	vlt.s32 v8, v5;
	v8 =	vshll.u32 v7, $0x3  }
0x1d2: {  	v9 =	vadd.s32 v6, v7;
	v7 =	vand.u32 $0x7F, v7;
	v8 =	vand.u32 $0x1C00, v8  }
.Ltmp23:
0x1d3: {  	v10 =	vand.u32 $0xFFFFE000, v9;
	v9 =	vshrl.u32 v9, $0x3;
	v7 =	vor.u32 v7, v8;
	(pc) =	sbr.rel @p2 .LBB2_29-.Ltmp23, $3  }
0x1d4: {  	vm0 =	vmand vm0, vm1;
	v8 =	vand.u32 $0x380, v9;
	v9 =	vor.u32 v10, v7  }
0x1d5: {  	v7 =	vld [tilespmem:s13+$0xD000];
	v8 =	vor.u32 v8, v9;
	_ =	sdelay $0x1  }
0x1d6: {  	s20 =	sadd.s32 $0x10, s20  }
.LBB2_30:
0x1d7: {  	_ =	sdelay $0x4  }
0x1d8: {  	[tilespmem:v8+s5+$0x0] =	vst.idx.msk vm0, v7  }
.LBB2_31:
0x1d9: {  	s31 =	sadd.s32 $0x1800, s25  }
0x1da: {  	p0 =	slt.s32 s31, $0x3FF800  }
0x1db: {  	s31 =	simm.s32 @!p0 $0x3FF800  }
0x1dc: {  	s0 =	ssub.s32 s24, s31  }
0x1dd: {  	s0 =	sadd.s32 $0xF, s0  }
0x1de: {  	s3 =	sand.u32 $0xF, s0  }
0x1df: {  	s21 =	sshra.s32 s0, $0x1F;
	p1 =	slt.s32 s0, $0x1;
	p4 =	sne.s32 s3, $0x0  }
0x1e0: {  	s3 =	sshrl.u32 s21, $0x1C;
	p0 =	por !p1, !p4  }
0x1e1: {  	s0 =	sadd.s32 s3, s0;
	s3 =	simm.s32 $0x1;
	p0 =	por !p0, !p0  }
0x1e2: {  	s0 =	sshra.s32 s0, $0x4;
	s3 =	simm.s32 @!p0 $0x0  }
0x1e3: {  	s3 =	ssub.s32 s0, s3  }
0x1e4: {  	p0 =	sgt.s32 s3, $0x0  }
0x1e5: {  	p6 =	por !p6, !p0  }
0x1e6: {  	p1 =	por !p6, !p6  }
.Ltmp24:
0x1e7: {  	_ = 	snop;
	(pc) =	sbr.rel @!p1 .LBB2_35-.Ltmp24, $1  }
0x1e8: {  	_ =	sdelay $0x3  }
0x1e9: {  	s0 =	sadd.s32 $0x1800, s30  }
0x1ea: {  	s13 =	simm.s32 $0x0;
	s19 =	sadd.s32 $0x0, s0  }
0x1eb: {  	s13 =	sand.u32 $0x70, s13;
	s19 =	sand.u32 $0x7FFFFF80, s19  }
0x1ec: {  	s13 =	sor.u32 s13, s19  }
0x1ed: {  	v7 =	vld [tilespmem:s13+$0x8000];
	_ =	sdelay $0x2  }
0x1ee: {  	s21 =	sadd.s32 $0x0, s31  }
0x1ef: {  	s3 =	simm.s32 @!p0 $0x0;
	v8 =	vadd.s32 s21, v0  }
0x1f0: {  	s3 =	smin.u32 s3, $0x80;
	vm0 =	vge.s32 v8, v4;
	vm1 =	vlt.s32 v8, v5;
	v9 =	vshll.u32 v7, $0x3  }
0x1f1: {  	p0 =	sgt.u32 s3, $0x1;
	v10 =	vadd.s32 v6, v7;
	v7 =	vand.u32 $0x7F, v7;
	v9 =	vand.u32 $0x1C00, v9  }
.Ltmp25:
0x1f2: {  	v7 =	vor.u32 v7, v9;
	v9 =	vand.u32 $0xFFFFE000, v10;
	v10 =	vshrl.u32 v10, $0x3;
	(pc) =	sbr.rel @!p0 .LBB2_34-.Ltmp25, $3  }
0x1f3: {  	vm0 =	vmand vm0, vm1;
	v8 =	vand.u32 $0x380, v10;
	v9 =	vor.u32 v9, v7  }
0x1f4: {  	v7 =	vld [tilespmem:s13+$0xD000];
	v8 =	vor.u32 v8, v9;
	_ =	sdelay $0x1  }
0x1f5: {  	s20 =	simm.s32 $0x10;
	s19 =	simm.s32 $0x1  }
.LBB2_33:
0x1f6: {  	s13 =	sadd.s32 s20, s0;
	s19 =	sadd.s32 $0x1, s19  }
0x1f7: {  	s21 =	sand.u32 $0x70, s20;
	s13 =	sand.u32 $0x7FFFFF80, s13;
	p1 =	sgt.u32 s3, s19  }
0x1f8: {  	s13 =	sor.u32 s21, s13;
	[tilespmem:v8+s5+$0x0] =	vst.idx.msk vm0, v7  }
0x1f9: {  	v7 =	vld [tilespmem:s13+$0x8000];
	_ =	sdelay $0x2  }
0x1fa: {  	s21 =	sadd.s32 s20, s31  }
0x1fb: {  	v8 =	vadd.s32 s21, v0  }
0x1fc: {  	vm0 =	vge.s32 v8, v4;
	vm1 =	vlt.s32 v8, v5;
	v8 =	vshll.u32 v7, $0x3  }
0x1fd: {  	v9 =	vadd.s32 v6, v7;
	v7 =	vand.u32 $0x7F, v7;
	v8 =	vand.u32 $0x1C00, v8  }
.Ltmp26:
0x1fe: {  	v10 =	vand.u32 $0xFFFFE000, v9;
	v9 =	vshrl.u32 v9, $0x3;
	v7 =	vor.u32 v7, v8;
	(pc) =	sbr.rel @p1 .LBB2_33-.Ltmp26, $3  }
0x1ff: {  	vm0 =	vmand vm0, vm1;
	v8 =	vand.u32 $0x380, v9;
	v9 =	vor.u32 v10, v7  }
0x200: {  	v7 =	vld [tilespmem:s13+$0xD000];
	v8 =	vor.u32 v8, v9;
	_ =	sdelay $0x1  }
0x201: {  	s20 =	sadd.s32 $0x10, s20  }
.LBB2_34:
0x202: {  	_ =	sdelay $0x4  }
0x203: {  	[tilespmem:v8+s5+$0x0] =	vst.idx.msk vm0, v7  }
.LBB2_35:
0x204: {  	s25 =	sadd.s32 $0x2000, s25  }
0x205: {  	p0 =	slt.s32 s25, $0x3FF800  }
0x206: {  	s25 =	simm.s32 @!p0 $0x3FF800  }
0x207: {  	s0 =	ssub.s32 s24, s25  }
0x208: {  	s0 =	sadd.s32 $0xF, s0  }
0x209: {  	s3 =	sand.u32 $0xF, s0  }
0x20a: {  	s31 =	sshra.s32 s0, $0x1F;
	p1 =	slt.s32 s0, $0x1;
	p4 =	sne.s32 s3, $0x0  }
0x20b: {  	s3 =	sshrl.u32 s31, $0x1C;
	p0 =	por !p1, !p4  }
0x20c: {  	s0 =	sadd.s32 s3, s0;
	s3 =	simm.s32 $0x1;
	p0 =	por !p0, !p0  }
0x20d: {  	s0 =	sshra.s32 s0, $0x4;
	s3 =	simm.s32 @!p0 $0x0  }
0x20e: {  	s3 =	ssub.s32 s0, s3  }
0x20f: {  	p0 =	sgt.s32 s3, $0x0  }
0x210: {  	p6 =	por !p5, !p0  }
0x211: {  	p1 =	por !p6, !p6  }
.Ltmp27:
0x212: {  	_ = 	snop;
	(pc) =	sbr.rel @!p1 .LBB2_39-.Ltmp27, $1  }
0x213: {  	_ =	sdelay $0x3  }
0x214: {  	s0 =	sadd.s32 $0x2000, s30  }
0x215: {  	s13 =	simm.s32 $0x0;
	s19 =	sadd.s32 $0x0, s0  }
0x216: {  	s13 =	sand.u32 $0x70, s13;
	s19 =	sand.u32 $0x7FFFFF80, s19  }
0x217: {  	s13 =	sor.u32 s13, s19  }
0x218: {  	v7 =	vld [tilespmem:s13+$0x8000];
	_ =	sdelay $0x2  }
0x219: {  	s31 =	sadd.s32 $0x0, s25  }
0x21a: {  	s3 =	simm.s32 @!p0 $0x0;
	v8 =	vadd.s32 s31, v0  }
0x21b: {  	s3 =	smin.u32 s3, $0x80;
	vm0 =	vge.s32 v8, v4;
	vm1 =	vlt.s32 v8, v5;
	v9 =	vshll.u32 v7, $0x3  }
0x21c: {  	p0 =	sgt.u32 s3, $0x1;
	v10 =	vadd.s32 v6, v7;
	v7 =	vand.u32 $0x7F, v7;
	v9 =	vand.u32 $0x1C00, v9  }
.Ltmp28:
0x21d: {  	v7 =	vor.u32 v7, v9;
	v9 =	vand.u32 $0xFFFFE000, v10;
	v10 =	vshrl.u32 v10, $0x3;
	(pc) =	sbr.rel @!p0 .LBB2_38-.Ltmp28, $3  }
0x21e: {  	vm0 =	vmand vm0, vm1;
	v8 =	vand.u32 $0x380, v10;
	v9 =	vor.u32 v9, v7  }
0x21f: {  	v7 =	vld [tilespmem:s13+$0xD000];
	v8 =	vor.u32 v8, v9;
	_ =	sdelay $0x1  }
0x220: {  	s20 =	simm.s32 $0x10;
	s19 =	simm.s32 $0x1  }
.LBB2_37:
0x221: {  	s13 =	sadd.s32 s20, s0;
	s19 =	sadd.s32 $0x1, s19  }
0x222: {  	s21 =	sand.u32 $0x70, s20;
	s13 =	sand.u32 $0x7FFFFF80, s13;
	p0 =	sgt.u32 s3, s19  }
0x223: {  	s13 =	sor.u32 s21, s13;
	[tilespmem:v8+s5+$0x0] =	vst.idx.msk vm0, v7  }
0x224: {  	v7 =	vld [tilespmem:s13+$0x8000];
	_ =	sdelay $0x2  }
0x225: {  	s21 =	sadd.s32 s20, s25  }
0x226: {  	v8 =	vadd.s32 s21, v0  }
0x227: {  	vm0 =	vge.s32 v8, v4;
	vm1 =	vlt.s32 v8, v5;
	v8 =	vshll.u32 v7, $0x3  }
0x228: {  	v9 =	vadd.s32 v6, v7;
	v7 =	vand.u32 $0x7F, v7;
	v8 =	vand.u32 $0x1C00, v8  }
.Ltmp29:
0x229: {  	v10 =	vand.u32 $0xFFFFE000, v9;
	v9 =	vshrl.u32 v9, $0x3;
	v7 =	vor.u32 v7, v8;
	(pc) =	sbr.rel @p0 .LBB2_37-.Ltmp29, $3  }
0x22a: {  	vm0 =	vmand vm0, vm1;
	v8 =	vand.u32 $0x380, v9;
	v9 =	vor.u32 v10, v7  }
0x22b: {  	v7 =	vld [tilespmem:s13+$0xD000];
	v8 =	vor.u32 v8, v9;
	_ =	sdelay $0x1  }
0x22c: {  	s20 =	sadd.s32 $0x10, s20  }
.Ltmp30:
0x22d: {  	_ = 	snop;
	(pc) =	sbr.rel .LBB2_38-.Ltmp30, $1  }
0x22e: {  	_ =	sdelay $0x3  }
.LBB2_41:
0x22f: {  	_ =	sfence.sel $0x180000  }
0x230: {  	[bflag:$0x0] =	sbarrier.arrive $0xFFFF  }
0x231: {  	_ =	strace $0x90000047  }
0x232: {  	s0 =	stileid.u32;
	[bflag:$0x2] =	sbarrier.arrive $0xFFFF  }
0x233: {  	p0 =	sne.s32 s0, $0x0;
	s0 =	rddreg [dreg:$0x4]  }
0x234: {  	s0 =	sadd.s32 @!p0 $0x100000, s0  }
0x235: {  	[sflag:s0] =	ssyncadd.tile.s32 @!p0 $0x1;
	_ =	shalt  }
.Lfunc_end2:
_tile_overlayer_lowered:
.L_overlay_start_2:
0x236: {  	(tag) =	ssettag $0x2  }
0x237: {  	s0 =	rddreg [dreg:$0x0];
	s2 =	stileid.u32  }
0x238: {  	s1 =	rddreg [dreg:$0x1];
	p0 =	sne.s32 s2, $0x0  }
0x239: {  	s3 =	rddreg [dreg:$0x2];
	[bflag:$0x3] =	sbarrier.arrive $0xFFFF;
	s2 =	simm.s32 @!p0 $0x1C04  }
0x23a: {  	[timem:s3], [sflag:s2] =	dma.local @!p0 [hbm:s0], s1  }
0x23b: {  	s0 =	simm.s32 @!p0 $0x4  }
0x23c: {  	_ =	swait.ge @!p0 [sflag:s0], s1  }
0x23d: {  	s1 =	ssub.s32 @!p0 $0x0, s1;
	[sflag:s0] =	ssyncset.done @!p0 $0x0  }
0x23e: {  	[sflag:s0] =	ssyncadd.s32 @!p0 s1  }
0x23f: {  	[bflag:$0x3] =	sbarrier.arrive $0xFFFF  }
0x240: {  	_ =	shalt  }

</sc_bundles>
